<compile_context>
chip_gen: v7x
topology: tpu7x:2x2x1
jax: 0.10.2.dev20260603
libtpu: 0.0.44.dev20260713+nightly
codegen_flags: <defaults>
</compile_context>

<pallas_src>
import functools
import math

import jax
import jax.numpy as jnp
from jax import lax
from jax.experimental import pallas as pl
from jax.experimental.pallas import tpu as pltpu
from jax.experimental.pallas import tpu_sc as plsc

D_MODEL = 64
SCALE = math.sqrt(D_MODEL)
LANES = 16
NUM_CORES = 2
NUM_SUBCORES = 16
NUM_WORKERS = NUM_CORES * NUM_SUBCORES
TW = 2 * D_MODEL


@functools.lru_cache(maxsize=None)
def _build(S0, S1):
    B = S0 * S1
    rows_per_w = S0 // NUM_WORKERS

    mesh = plsc.VectorSubcoreMesh(
        core_axis_name="c", subcore_axis_name="s",
        num_cores=NUM_CORES, num_subcores=NUM_SUBCORES)

    BLK = 128
    nblk = rows_per_w * S1 // BLK
    DEPTH = 4

    @functools.partial(
        pl.kernel,
        mesh=mesh,
        out_type=jax.ShapeDtypeStruct((B, D_MODEL), jnp.float32),
        scratch_types=[
            pltpu.VMEM((rows_per_w * S1,), jnp.int32),
            [pltpu.VMEM((BLK, TW), jnp.float32) for _ in range(DEPTH)],
            [pltpu.VMEM((BLK, D_MODEL), jnp.float32) for _ in range(2)],
            [pltpu.SemaphoreType.DMA for _ in range(DEPTH)],
            [pltpu.SemaphoreType.DMA for _ in range(2)],
        ],
    )
    def emb(x1_hbm, tabw_hbm, out_hbm, idx_all, rows, outv, gsem, ssem):
        wid = lax.axis_index("s") * NUM_CORES + lax.axis_index("c")
        base = wid * rows_per_w * S1

        pltpu.sync_copy(x1_hbm.at[pl.ds(base, rows_per_w * S1)], idx_all)

        def fire(i, b):
            pltpu.async_copy(
                tabw_hbm.at[idx_all.at[pl.ds(i * BLK, BLK)]],
                rows[b], gsem[b])

        def process(i, b, ob):
            pltpu.make_async_copy(
                tabw_hbm.at[idx_all.at[pl.ds(i * BLK, BLK)]],
                rows[b], gsem[b]).wait()

            @pl.when(i >= 2)
            def _():
                pltpu.make_async_copy(
                    outv[ob], out_hbm.at[pl.ds(base, BLK)], ssem[ob]).wait()

            def scale_row(r, carry):
                for c in range(D_MODEL // LANES):
                    sl = pl.ds(c * LANES, LANES)
                    outv[ob][r, sl] = rows[b][r, sl] * SCALE
                return carry

            lax.fori_loop(0, BLK, scale_row, 0, unroll=4)
            pltpu.async_copy(
                outv[ob], out_hbm.at[pl.ds(base + i * BLK, BLK)], ssem[ob])

        for t in range(DEPTH - 1):
            fire(t, t)

        def quad_body(g, carry):
            i0 = 4 * g
            for t in range(4):
                i = i0 + t

                @pl.when(i + DEPTH - 1 < nblk)
                def _(i=i, t=t):
                    fire(i + DEPTH - 1, (t + DEPTH - 1) % DEPTH)

                process(i, t % DEPTH, t % 2)
            return carry

        lax.fori_loop(0, nblk // 4, quad_body, 0)

        for ob in range(2):
            pltpu.make_async_copy(
                outv[ob], out_hbm.at[pl.ds(base, BLK)], ssem[ob]).wait()

    return emb


def kernel(x, table):
    S0, S1 = x.shape
    x1 = x.reshape(S0 * S1).astype(jnp.int32)
    tabw = jnp.pad(table, ((0, 0), (0, TW - D_MODEL)))
    out = _build(S0, S1)(x1, tabw)
    return out.reshape(S0, S1, D_MODEL)

# --- scband reference (transcript-rebuilt; emitter-appended) ---
"""Pipeline reference for scband-input-embeddings-77300821393560 (READ-ONLY COPY).

The authoritative reference and input builder live on the scoring server;
editing this copy changes nothing except your own understanding.
"""

import jax, jax.numpy as jnp
import numpy as np
import math

D_MODEL = 64
VOCAB = 1000000

def setup_inputs(seed: int = 0) -> dict:
    key = jax.random.key(seed)
    k1, k2 = jax.random.split(key)
    x = jax.random.randint(k1, (4096, 200), 0, VOCAB, dtype=jnp.int64 if jax.config.jax_enable_x64 else jnp.int32)
    table = jax.random.normal(k2, (VOCAB, D_MODEL), dtype=jnp.float32)
    return {"x": x, "table": table}

def reference(x, table):
    # InputEmbeddings.forward: embedding lookup scaled by sqrt(d_model)
    emb = jnp.take(table, x, axis=0)
    return emb * math.sqrt(D_MODEL)

if __name__ == "__main__":
    import jax
    _d = setup_inputs()
    print(jax.jit(kernel)(*tuple(_d.values())))

</pallas_src>

<mosaic_0001>
#map = affine_map<(d0, d1) -> (0)>
#map1 = affine_map<(d0, d1) -> (0, 0)>
module attributes {stable_mosaic.version = 14 : i64} {
  func.func @emb(%arg0: i32, %arg1: i32, %arg2: memref<819200xi32, #tpu.memory_space<hbm>>, %arg3: memref<1000000x128xf32, #tpu.memory_space<hbm>>, %arg4: memref<819200x64xf32, #tpu.memory_space<hbm>>, %arg5: memref<25600xi32, #tpu.memory_space<vmem>>, %arg6: memref<128x128xf32, #tpu.memory_space<vmem>>, %arg7: memref<128x128xf32, #tpu.memory_space<vmem>>, %arg8: memref<128x128xf32, #tpu.memory_space<vmem>>, %arg9: memref<128x128xf32, #tpu.memory_space<vmem>>, %arg10: memref<128x64xf32, #tpu.memory_space<vmem>>, %arg11: memref<128x64xf32, #tpu.memory_space<vmem>>, %arg12: memref<!tpu.dma_semaphore, #tpu.memory_space<semaphore_mem>>, %arg13: memref<!tpu.dma_semaphore, #tpu.memory_space<semaphore_mem>>, %arg14: memref<!tpu.dma_semaphore, #tpu.memory_space<semaphore_mem>>, %arg15: memref<!tpu.dma_semaphore, #tpu.memory_space<semaphore_mem>>, %arg16: memref<!tpu.dma_semaphore, #tpu.memory_space<semaphore_mem>>, %arg17: memref<!tpu.dma_semaphore, #tpu.memory_space<semaphore_mem>>) attributes {dimension_semantics = [#tpu.dimension_semantics<core_parallel>, #tpu.dimension_semantics<subcore_parallel>], iteration_bounds = array<i64: 2, 16>, scalar_prefetch = 0 : i64, scratch_operands = 13 : i64, tpu.core_type = #tpu.core_type<sc_vector_subcore>, window_params = [{transform_indices = #map}, {transform_indices = #map1}, {transform_indices = #map1}]} {
    %mul3A = arith.constant 2 : i32
    %mul3A_0 = arith.muli %arg1, %mul3A : i32
    %add3A = arith.addi %mul3A_0, %arg0 : i32
    %mul3A_1 = arith.constant 128 : i32
    %mul3A_2 = arith.muli %add3A, %mul3A_1 : i32
    %mul3A_3 = arith.constant 200 : i32
    %mul3A_4 = arith.muli %mul3A_2, %mul3A_3 : i32
    "tpu.region"() ({
      %run_scoped3A = tpu.sem_alloc : memref<!tpu.dma_semaphore, #tpu.memory_space<semaphore_mem>>
      %dma_start3A_31 = tpu.memref_slice %arg2[%mul3A_4] : memref<819200xi32, #tpu.memory_space<hbm>> -> memref<25600xi32, #tpu.memory_space<hbm>>
      %dma_start3A_32 = tpu.memref_slice %arg2[%mul3A_4] : memref<819200xi32, #tpu.memory_space<hbm>> -> memref<25600xi32, #tpu.memory_space<hbm>>
      tpu.enqueue_dma source(%dma_start3A_32 : memref<25600xi32, #tpu.memory_space<hbm>>) target(%arg5 : memref<25600xi32, #tpu.memory_space<vmem>>) target_semaphore(%run_scoped3A : memref<!tpu.dma_semaphore, #tpu.memory_space<semaphore_mem>>)
      %dma_wait3A_33 = tpu.memref_slice %arg2[%mul3A_4] : memref<819200xi32, #tpu.memory_space<hbm>> -> memref<25600xi32, #tpu.memory_space<hbm>>
      %dma_wait3A_34 = tpu.memref_slice %arg2[%mul3A_4] : memref<819200xi32, #tpu.memory_space<hbm>> -> memref<25600xi32, #tpu.memory_space<hbm>>
      tpu.wait_dma2 semaphore(%run_scoped3A : memref<!tpu.dma_semaphore, #tpu.memory_space<semaphore_mem>>) src(%dma_wait3A_34 : memref<25600xi32, #tpu.memory_space<hbm>>) dst(%arg5 : memref<25600xi32, #tpu.memory_space<vmem>>)
      tpu.yield
    }) : () -> ()
    %dma_start3A = arith.constant 0 : i32
    %dma_start3A_5 = tpu.memref_slice %arg5[%dma_start3A] : memref<25600xi32, #tpu.memory_space<vmem>> -> memref<128xi32, #tpu.memory_space<vmem>>
    %dma_start3A_6 = arith.constant 0 : i32
    %dma_start3A_7 = arith.constant 0 : i32
    %dma_start3A_8 = tpu.memref_slice %arg3[%dma_start3A_6, %dma_start3A_7] : memref<1000000x128xf32, #tpu.memory_space<hbm>> -> memref<1000000x128xf32, #tpu.memory_space<hbm>>
    tpu.enqueue_indirect_dma source(%dma_start3A_8 : memref<1000000x128xf32, #tpu.memory_space<hbm>>) target(%arg6 : memref<128x128xf32, #tpu.memory_space<vmem>>) offsets(%dma_start3A_5 : memref<128xi32, #tpu.memory_space<vmem>>) semaphore(%arg12 : memref<!tpu.dma_semaphore, #tpu.memory_space<semaphore_mem>>)
    %dma_start3A_9 = arith.constant 128 : i32
    %dma_start3A_10 = tpu.memref_slice %arg5[%dma_start3A_9] : memref<25600xi32, #tpu.memory_space<vmem>> -> memref<128xi32, #tpu.memory_space<vmem>>
    %dma_start3A_11 = arith.constant 0 : i32
    %dma_start3A_12 = arith.constant 0 : i32
    %dma_start3A_13 = tpu.memref_slice %arg3[%dma_start3A_11, %dma_start3A_12] : memref<1000000x128xf32, #tpu.memory_space<hbm>> -> memref<1000000x128xf32, #tpu.memory_space<hbm>>
    tpu.enqueue_indirect_dma source(%dma_start3A_13 : memref<1000000x128xf32, #tpu.memory_space<hbm>>) target(%arg7 : memref<128x128xf32, #tpu.memory_space<vmem>>) offsets(%dma_start3A_10 : memref<128xi32, #tpu.memory_space<vmem>>) semaphore(%arg13 : memref<!tpu.dma_semaphore, #tpu.memory_space<semaphore_mem>>)
    %dma_start3A_14 = arith.constant 256 : i32
    %dma_start3A_15 = tpu.memref_slice %arg5[%dma_start3A_14] : memref<25600xi32, #tpu.memory_space<vmem>> -> memref<128xi32, #tpu.memory_space<vmem>>
    %dma_start3A_16 = arith.constant 0 : i32
    %dma_start3A_17 = arith.constant 0 : i32
    %dma_start3A_18 = tpu.memref_slice %arg3[%dma_start3A_16, %dma_start3A_17] : memref<1000000x128xf32, #tpu.memory_space<hbm>> -> memref<1000000x128xf32, #tpu.memory_space<hbm>>
    tpu.enqueue_indirect_dma source(%dma_start3A_18 : memref<1000000x128xf32, #tpu.memory_space<hbm>>) target(%arg8 : memref<128x128xf32, #tpu.memory_space<vmem>>) offsets(%dma_start3A_15 : memref<128xi32, #tpu.memory_space<vmem>>) semaphore(%arg14 : memref<!tpu.dma_semaphore, #tpu.memory_space<semaphore_mem>>)
    %scan3A = arith.constant 0 : i32
    %scan3A_19 = arith.constant 0 : i32
    %scan3A_20 = arith.constant 50 : i32
    %scan3A_21 = arith.addi %scan3A_19, %scan3A_20 : i32
    %scan3A_22 = arith.constant 1 : i32
    scf.for %scan3A_31 = %scan3A_19 to %scan3A_21 step %scan3A_22  : i32 {
      %mul3A_32 = arith.constant 4 : i32
      %mul3A_33 = arith.muli %mul3A_32, %scan3A_31 : i32
      %add3A_34 = arith.constant 0 : i32
      %add3A_35 = arith.addi %mul3A_33, %add3A_34 : i32
      %add3A_36 = arith.constant 4 : i32
      %add3A_37 = arith.addi %add3A_35, %add3A_36 : i32
      %sub3A = arith.constant 1 : i32
      %sub3A_38 = arith.subi %add3A_37, %sub3A : i32
      %lt3A = arith.constant 200 : i32
      %lt3A_39 = arith.cmpi slt, %sub3A_38, %lt3A : i32
      %convert_element_type3A = arith.extui %lt3A_39 : i1 to i32
      %cond3A = arith.constant 0 : i32
      %cond3A_40 = arith.cmpi ne, %convert_element_type3A, %cond3A : i32
      scf.if %cond3A_40 {
        %add3A_169 = arith.constant 4 : i32
        %add3A_170 = arith.addi %add3A_35, %add3A_169 : i32
        %sub3A_171 = arith.constant 1 : i32
        %sub3A_172 = arith.subi %add3A_170, %sub3A_171 : i32
        %mul3A_173 = arith.constant 128 : i32
        %mul3A_174 = arith.muli %sub3A_172, %mul3A_173 : i32
        %dma_start3A_175 = tpu.memref_slice %arg5[%mul3A_174] : memref<25600xi32, #tpu.memory_space<vmem>> -> memref<128xi32, #tpu.memory_space<vmem>>
        %dma_start3A_176 = arith.constant 0 : i32
        %dma_start3A_177 = arith.constant 0 : i32
        %dma_start3A_178 = tpu.memref_slice %arg3[%dma_start3A_176, %dma_start3A_177] : memref<1000000x128xf32, #tpu.memory_space<hbm>> -> memref<1000000x128xf32, #tpu.memory_space<hbm>>
        tpu.enqueue_indirect_dma source(%dma_start3A_178 : memref<1000000x128xf32, #tpu.memory_space<hbm>>) target(%arg9 : memref<128x128xf32, #tpu.memory_space<vmem>>) offsets(%dma_start3A_175 : memref<128xi32, #tpu.memory_space<vmem>>) semaphore(%arg15 : memref<!tpu.dma_semaphore, #tpu.memory_space<semaphore_mem>>)
      } else {
      }
      %mul3A_41 = arith.constant 128 : i32
      %mul3A_42 = arith.muli %add3A_35, %mul3A_41 : i32
      %dma_wait3A_43 = tpu.memref_slice %arg5[%mul3A_42] : memref<25600xi32, #tpu.memory_space<vmem>> -> memref<128xi32, #tpu.memory_space<vmem>>
      %dma_wait3A_44 = arith.constant 0 : i32
      %dma_wait3A_45 = arith.constant 0 : i32
      %dma_wait3A_46 = tpu.memref_slice %arg3[%dma_wait3A_44, %dma_wait3A_45] : memref<1000000x128xf32, #tpu.memory_space<hbm>> -> memref<1000000x128xf32, #tpu.memory_space<hbm>>
      tpu.wait_indirect_dma semaphore(%arg12 : memref<!tpu.dma_semaphore, #tpu.memory_space<semaphore_mem>>) src(%dma_wait3A_46 : memref<1000000x128xf32, #tpu.memory_space<hbm>>) dst(%arg6 : memref<128x128xf32, #tpu.memory_space<vmem>>)
      %ge3A = arith.constant 2 : i32
      %ge3A_47 = arith.cmpi sge, %add3A_35, %ge3A : i32
      %convert_element_type3A_48 = arith.extui %ge3A_47 : i1 to i32
      %cond3A_49 = arith.constant 0 : i32
      %cond3A_50 = arith.cmpi ne, %convert_element_type3A_48, %cond3A_49 : i32
      scf.if %cond3A_50 {
        %dma_wait3A_169 = arith.constant 0 : i32
        %dma_wait3A_170 = tpu.memref_slice %arg4[%mul3A_4, %dma_wait3A_169] : memref<819200x64xf32, #tpu.memory_space<hbm>> -> memref<128x64xf32, #tpu.memory_space<hbm>>
        %dma_wait3A_171 = arith.constant 0 : i32
        %dma_wait3A_172 = tpu.memref_slice %arg4[%mul3A_4, %dma_wait3A_171] : memref<819200x64xf32, #tpu.memory_space<hbm>> -> memref<128x64xf32, #tpu.memory_space<hbm>>
        tpu.wait_dma2 semaphore(%arg16 : memref<!tpu.dma_semaphore, #tpu.memory_space<semaphore_mem>>) src(%arg10 : memref<128x64xf32, #tpu.memory_space<vmem>>) dst(%dma_wait3A_172 : memref<128x64xf32, #tpu.memory_space<hbm>>)
      } else {
      }
      %scan3A_51 = arith.constant 0 : i32
      %scan3A_52 = arith.constant 0 : i32
      %scan3A_53 = arith.constant 128 : i32
      %scan3A_54 = arith.addi %scan3A_52, %scan3A_53 : i32
      %scan3A_55 = arith.constant 4 : i32
      scf.for %scan3A_169 = %scan3A_52 to %scan3A_54 step %scan3A_55  : i32 {
        %get3A = arith.index_cast %scan3A_169 : i32 to index
        %get3A_170 = arith.constant 0 : index
        %get3A_171 = tpu.vector_load %arg6[%get3A, %get3A_170] {strides = array<i32>} : memref<128x128xf32, #tpu.memory_space<vmem>>, vector<1x16xf32>,
        %get3A_172 = vector.shape_cast %get3A_171 : vector<1x16xf32> to vector<16xf32>
        %mul3A_173 = arith.constant 8.000000e+00 : f32
        %mul3A_174 = vector.broadcast %mul3A_173 : f32 to vector<16xf32>
        %mul3A_175 = arith.mulf %get3A_172, %mul3A_174 : vector<16xf32>
        %swap3A = arith.index_cast %scan3A_169 : i32 to index
        %swap3A_176 = arith.constant 0 : index
        %swap3A_177 = tpu.vector_load %arg10[%swap3A, %swap3A_176] {strides = array<i32>} : memref<128x64xf32, #tpu.memory_space<vmem>>, vector<1x16xf32>,
        %swap3A_178 = vector.shape_cast %swap3A_177 : vector<1x16xf32> to vector<16xf32>
        %swap3A_179 = vector.shape_cast %mul3A_175 : vector<16xf32> to vector<1x16xf32>
        tpu.vector_store %arg10[%swap3A, %swap3A_176], %swap3A_179 {strides = array<i32>} : memref<128x64xf32, #tpu.memory_space<vmem>>, vector<1x16xf32>,
        %get3A_180 = arith.index_cast %scan3A_169 : i32 to index
        %get3A_181 = arith.constant 16 : index
        %get3A_182 = tpu.vector_load %arg6[%get3A_180, %get3A_181] {strides = array<i32>} : memref<128x128xf32, #tpu.memory_space<vmem>>, vector<1x16xf32>,
        %get3A_183 = vector.shape_cast %get3A_182 : vector<1x16xf32> to vector<16xf32>
        %mul3A_184 = arith.constant 8.000000e+00 : f32
        %mul3A_185 = vector.broadcast %mul3A_184 : f32 to vector<16xf32>
        %mul3A_186 = arith.mulf %get3A_183, %mul3A_185 : vector<16xf32>
        %swap3A_187 = arith.index_cast %scan3A_169 : i32 to index
        %swap3A_188 = arith.constant 16 : index
        %swap3A_189 = tpu.vector_load %arg10[%swap3A_187, %swap3A_188] {strides = array<i32>} : memref<128x64xf32, #tpu.memory_space<vmem>>, vector<1x16xf32>,
        %swap3A_190 = vector.shape_cast %swap3A_189 : vector<1x16xf32> to vector<16xf32>
        %swap3A_191 = vector.shape_cast %mul3A_186 : vector<16xf32> to vector<1x16xf32>
        tpu.vector_store %arg10[%swap3A_187, %swap3A_188], %swap3A_191 {strides = array<i32>} : memref<128x64xf32, #tpu.memory_space<vmem>>, vector<1x16xf32>,
        %get3A_192 = arith.index_cast %scan3A_169 : i32 to index
        %get3A_193 = arith.constant 32 : index
        %get3A_194 = tpu.vector_load %arg6[%get3A_192, %get3A_193] {strides = array<i32>} : memref<128x128xf32, #tpu.memory_space<vmem>>, vector<1x16xf32>,
        %get3A_195 = vector.shape_cast %get3A_194 : vector<1x16xf32> to vector<16xf32>
        %mul3A_196 = arith.constant 8.000000e+00 : f32
        %mul3A_197 = vector.broadcast %mul3A_196 : f32 to vector<16xf32>
        %mul3A_198 = arith.mulf %get3A_195, %mul3A_197 : vector<16xf32>
        %swap3A_199 = arith.index_cast %scan3A_169 : i32 to index
        %swap3A_200 = arith.constant 32 : index
        %swap3A_201 = tpu.vector_load %arg10[%swap3A_199, %swap3A_200] {strides = array<i32>} : memref<128x64xf32, #tpu.memory_space<vmem>>, vector<1x16xf32>,
        %swap3A_202 = vector.shape_cast %swap3A_201 : vector<1x16xf32> to vector<16xf32>
        %swap3A_203 = vector.shape_cast %mul3A_198 : vector<16xf32> to vector<1x16xf32>
        tpu.vector_store %arg10[%swap3A_199, %swap3A_200], %swap3A_203 {strides = array<i32>} : memref<128x64xf32, #tpu.memory_space<vmem>>, vector<1x16xf32>,
        %get3A_204 = arith.index_cast %scan3A_169 : i32 to index
        %get3A_205 = arith.constant 48 : index
        %get3A_206 = tpu.vector_load %arg6[%get3A_204, %get3A_205] {strides = array<i32>} : memref<128x128xf32, #tpu.memory_space<vmem>>, vector<1x16xf32>,
        %get3A_207 = vector.shape_cast %get3A_206 : vector<1x16xf32> to vector<16xf32>
        %mul3A_208 = arith.constant 8.000000e+00 : f32
        %mul3A_209 = vector.broadcast %mul3A_208 : f32 to vector<16xf32>
        %mul3A_210 = arith.mulf %get3A_207, %mul3A_209 : vector<16xf32>
        %swap3A_211 = arith.index_cast %scan3A_169 : i32 to index
        %swap3A_212 = arith.constant 48 : index
        %swap3A_213 = tpu.vector_load %arg10[%swap3A_211, %swap3A_212] {strides = array<i32>} : memref<128x64xf32, #tpu.memory_space<vmem>>, vector<1x16xf32>,
        %swap3A_214 = vector.shape_cast %swap3A_213 : vector<1x16xf32> to vector<16xf32>
        %swap3A_215 = vector.shape_cast %mul3A_210 : vector<16xf32> to vector<1x16xf32>
        tpu.vector_store %arg10[%swap3A_211, %swap3A_212], %swap3A_215 {strides = array<i32>} : memref<128x64xf32, #tpu.memory_space<vmem>>, vector<1x16xf32>,
        %scan3A_216 = arith.constant 1 : i32
        %scan3A_217 = arith.addi %scan3A_169, %scan3A_216 : i32
        %get3A_218 = arith.index_cast %scan3A_217 : i32 to index
        %get3A_219 = arith.constant 0 : index
        %get3A_220 = tpu.vector_load %arg6[%get3A_218, %get3A_219] {strides = array<i32>} : memref<128x128xf32, #tpu.memory_space<vmem>>, vector<1x16xf32>,
        %get3A_221 = vector.shape_cast %get3A_220 : vector<1x16xf32> to vector<16xf32>
        %mul3A_222 = arith.constant 8.000000e+00 : f32
        %mul3A_223 = vector.broadcast %mul3A_222 : f32 to vector<16xf32>
        %mul3A_224 = arith.mulf %get3A_221, %mul3A_223 : vector<16xf32>
        %swap3A_225 = arith.index_cast %scan3A_217 : i32 to index
        %swap3A_226 = arith.constant 0 : index
        %swap3A_227 = tpu.vector_load %arg10[%swap3A_225, %swap3A_226] {strides = array<i32>} : memref<128x64xf32, #tpu.memory_space<vmem>>, vector<1x16xf32>,
        %swap3A_228 = vector.shape_cast %swap3A_227 : vector<1x16xf32> to vector<16xf32>
        %swap3A_229 = vector.shape_cast %mul3A_224 : vector<16xf32> to vector<1x16xf32>
        tpu.vector_store %arg10[%swap3A_225, %swap3A_226], %swap3A_229 {strides = array<i32>} : memref<128x64xf32, #tpu.memory_space<vmem>>, vector<1x16xf32>,
        %get3A_230 = arith.index_cast %scan3A_217 : i32 to index
        %get3A_231 = arith.constant 16 : index
        %get3A_232 = tpu.vector_load %arg6[%get3A_230, %get3A_231] {strides = array<i32>} : memref<128x128xf32, #tpu.memory_space<vmem>>, vector<1x16xf32>,
        %get3A_233 = vector.shape_cast %get3A_232 : vector<1x16xf32> to vector<16xf32>
        %mul3A_234 = arith.constant 8.000000e+00 : f32
        %mul3A_235 = vector.broadcast %mul3A_234 : f32 to vector<16xf32>
        %mul3A_236 = arith.mulf %get3A_233, %mul3A_235 : vector<16xf32>
        %swap3A_237 = arith.index_cast %scan3A_217 : i32 to index
        %swap3A_238 = arith.constant 16 : index
        %swap3A_239 = tpu.vector_load %arg10[%swap3A_237, %swap3A_238] {strides = array<i32>} : memref<128x64xf32, #tpu.memory_space<vmem>>, vector<1x16xf32>,
        %swap3A_240 = vector.shape_cast %swap3A_239 : vector<1x16xf32> to vector<16xf32>
        %swap3A_241 = vector.shape_cast %mul3A_236 : vector<16xf32> to vector<1x16xf32>
        tpu.vector_store %arg10[%swap3A_237, %swap3A_238], %swap3A_241 {strides = array<i32>} : memref<128x64xf32, #tpu.memory_space<vmem>>, vector<1x16xf32>,
        %get3A_242 = arith.index_cast %scan3A_217 : i32 to index
        %get3A_243 = arith.constant 32 : index
        %get3A_244 = tpu.vector_load %arg6[%get3A_242, %get3A_243] {strides = array<i32>} : memref<128x128xf32, #tpu.memory_space<vmem>>, vector<1x16xf32>,
        %get3A_245 = vector.shape_cast %get3A_244 : vector<1x16xf32> to vector<16xf32>
        %mul3A_246 = arith.constant 8.000000e+00 : f32
        %mul3A_247 = vector.broadcast %mul3A_246 : f32 to vector<16xf32>
        %mul3A_248 = arith.mulf %get3A_245, %mul3A_247 : vector<16xf32>
        %swap3A_249 = arith.index_cast %scan3A_217 : i32 to index
        %swap3A_250 = arith.constant 32 : index
        %swap3A_251 = tpu.vector_load %arg10[%swap3A_249, %swap3A_250] {strides = array<i32>} : memref<128x64xf32, #tpu.memory_space<vmem>>, vector<1x16xf32>,
        %swap3A_252 = vector.shape_cast %swap3A_251 : vector<1x16xf32> to vector<16xf32>
        %swap3A_253 = vector.shape_cast %mul3A_248 : vector<16xf32> to vector<1x16xf32>
        tpu.vector_store %arg10[%swap3A_249, %swap3A_250], %swap3A_253 {strides = array<i32>} : memref<128x64xf32, #tpu.memory_space<vmem>>, vector<1x16xf32>,
        %get3A_254 = arith.index_cast %scan3A_217 : i32 to index
        %get3A_255 = arith.constant 48 : index
        %get3A_256 = tpu.vector_load %arg6[%get3A_254, %get3A_255] {strides = array<i32>} : memref<128x128xf32, #tpu.memory_space<vmem>>, vector<1x16xf32>,
        %get3A_257 = vector.shape_cast %get3A_256 : vector<1x16xf32> to vector<16xf32>
        %mul3A_258 = arith.constant 8.000000e+00 : f32
        %mul3A_259 = vector.broadcast %mul3A_258 : f32 to vector<16xf32>
        %mul3A_260 = arith.mulf %get3A_257, %mul3A_259 : vector<16xf32>
        %swap3A_261 = arith.index_cast %scan3A_217 : i32 to index
        %swap3A_262 = arith.constant 48 : index
        %swap3A_263 = tpu.vector_load %arg10[%swap3A_261, %swap3A_262] {strides = array<i32>} : memref<128x64xf32, #tpu.memory_space<vmem>>, vector<1x16xf32>,
        %swap3A_264 = vector.shape_cast %swap3A_263 : vector<1x16xf32> to vector<16xf32>
        %swap3A_265 = vector.shape_cast %mul3A_260 : vector<16xf32> to vector<1x16xf32>
        tpu.vector_store %arg10[%swap3A_261, %swap3A_262], %swap3A_265 {strides = array<i32>} : memref<128x64xf32, #tpu.memory_space<vmem>>, vector<1x16xf32>,
        %scan3A_266 = arith.constant 2 : i32
        %scan3A_267 = arith.addi %scan3A_169, %scan3A_266 : i32
        %get3A_268 = arith.index_cast %scan3A_267 : i32 to index
        %get3A_269 = arith.constant 0 : index
        %get3A_270 = tpu.vector_load %arg6[%get3A_268, %get3A_269] {strides = array<i32>} : memref<128x128xf32, #tpu.memory_space<vmem>>, vector<1x16xf32>,
        %get3A_271 = vector.shape_cast %get3A_270 : vector<1x16xf32> to vector<16xf32>
        %mul3A_272 = arith.constant 8.000000e+00 : f32
        %mul3A_273 = vector.broadcast %mul3A_272 : f32 to vector<16xf32>
        %mul3A_274 = arith.mulf %get3A_271, %mul3A_273 : vector<16xf32>
        %swap3A_275 = arith.index_cast %scan3A_267 : i32 to index
        %swap3A_276 = arith.constant 0 : index
        %swap3A_277 = tpu.vector_load %arg10[%swap3A_275, %swap3A_276] {strides = array<i32>} : memref<128x64xf32, #tpu.memory_space<vmem>>, vector<1x16xf32>,
        %swap3A_278 = vector.shape_cast %swap3A_277 : vector<1x16xf32> to vector<16xf32>
        %swap3A_279 = vector.shape_cast %mul3A_274 : vector<16xf32> to vector<1x16xf32>
        tpu.vector_store %arg10[%swap3A_275, %swap3A_276], %swap3A_279 {strides = array<i32>} : memref<128x64xf32, #tpu.memory_space<vmem>>, vector<1x16xf32>,
        %get3A_280 = arith.index_cast %scan3A_267 : i32 to index
        %get3A_281 = arith.constant 16 : index
        %get3A_282 = tpu.vector_load %arg6[%get3A_280, %get3A_281] {strides = array<i32>} : memref<128x128xf32, #tpu.memory_space<vmem>>, vector<1x16xf32>,
        %get3A_283 = vector.shape_cast %get3A_282 : vector<1x16xf32> to vector<16xf32>
        %mul3A_284 = arith.constant 8.000000e+00 : f32
        %mul3A_285 = vector.broadcast %mul3A_284 : f32 to vector<16xf32>
        %mul3A_286 = arith.mulf %get3A_283, %mul3A_285 : vector<16xf32>
        %swap3A_287 = arith.index_cast %scan3A_267 : i32 to index
        %swap3A_288 = arith.constant 16 : index
        %swap3A_289 = tpu.vector_load %arg10[%swap3A_287, %swap3A_288] {strides = array<i32>} : memref<128x64xf32, #tpu.memory_space<vmem>>, vector<1x16xf32>,
        %swap3A_290 = vector.shape_cast %swap3A_289 : vector<1x16xf32> to vector<16xf32>
        %swap3A_291 = vector.shape_cast %mul3A_286 : vector<16xf32> to vector<1x16xf32>
        tpu.vector_store %arg10[%swap3A_287, %swap3A_288], %swap3A_291 {strides = array<i32>} : memref<128x64xf32, #tpu.memory_space<vmem>>, vector<1x16xf32>,
        %get3A_292 = arith.index_cast %scan3A_267 : i32 to index
        %get3A_293 = arith.constant 32 : index
        %get3A_294 = tpu.vector_load %arg6[%get3A_292, %get3A_293] {strides = array<i32>} : memref<128x128xf32, #tpu.memory_space<vmem>>, vector<1x16xf32>,
        %get3A_295 = vector.shape_cast %get3A_294 : vector<1x16xf32> to vector<16xf32>
        %mul3A_296 = arith.constant 8.000000e+00 : f32
        %mul3A_297 = vector.broadcast %mul3A_296 : f32 to vector<16xf32>
        %mul3A_298 = arith.mulf %get3A_295, %mul3A_297 : vector<16xf32>
        %swap3A_299 = arith.index_cast %scan3A_267 : i32 to index
        %swap3A_300 = arith.constant 32 : index
        %swap3A_301 = tpu.vector_load %arg10[%swap3A_299, %swap3A_300] {strides = array<i32>} : memref<128x64xf32, #tpu.memory_space<vmem>>, vector<1x16xf32>,
        %swap3A_302 = vector.shape_cast %swap3A_301 : vector<1x16xf32> to vector<16xf32>
        %swap3A_303 = vector.shape_cast %mul3A_298 : vector<16xf32> to vector<1x16xf32>
        tpu.vector_store %arg10[%swap3A_299, %swap3A_300], %swap3A_303 {strides = array<i32>} : memref<128x64xf32, #tpu.memory_space<vmem>>, vector<1x16xf32>,
        %get3A_304 = arith.index_cast %scan3A_267 : i32 to index
        %get3A_305 = arith.constant 48 : index
        %get3A_306 = tpu.vector_load %arg6[%get3A_304, %get3A_305] {strides = array<i32>} : memref<128x128xf32, #tpu.memory_space<vmem>>, vector<1x16xf32>,
        %get3A_307 = vector.shape_cast %get3A_306 : vector<1x16xf32> to vector<16xf32>
        %mul3A_308 = arith.constant 8.000000e+00 : f32
        %mul3A_309 = vector.broadcast %mul3A_308 : f32 to vector<16xf32>
        %mul3A_310 = arith.mulf %get3A_307, %mul3A_309 : vector<16xf32>
        %swap3A_311 = arith.index_cast %scan3A_267 : i32 to index
        %swap3A_312 = arith.constant 48 : index
        %swap3A_313 = tpu.vector_load %arg10[%swap3A_311, %swap3A_312] {strides = array<i32>} : memref<128x64xf32, #tpu.memory_space<vmem>>, vector<1x16xf32>,
        %swap3A_314 = vector.shape_cast %swap3A_313 : vector<1x16xf32> to vector<16xf32>
        %swap3A_315 = vector.shape_cast %mul3A_310 : vector<16xf32> to vector<1x16xf32>
        tpu.vector_store %arg10[%swap3A_311, %swap3A_312], %swap3A_315 {strides = array<i32>} : memref<128x64xf32, #tpu.memory_space<vmem>>, vector<1x16xf32>,
        %scan3A_316 = arith.constant 3 : i32
        %scan3A_317 = arith.addi %scan3A_169, %scan3A_316 : i32
        %get3A_318 = arith.index_cast %scan3A_317 : i32 to index
        %get3A_319 = arith.constant 0 : index
        %get3A_320 = tpu.vector_load %arg6[%get3A_318, %get3A_319] {strides = array<i32>} : memref<128x128xf32, #tpu.memory_space<vmem>>, vector<1x16xf32>,
        %get3A_321 = vector.shape_cast %get3A_320 : vector<1x16xf32> to vector<16xf32>
        %mul3A_322 = arith.constant 8.000000e+00 : f32
        %mul3A_323 = vector.broadcast %mul3A_322 : f32 to vector<16xf32>
        %mul3A_324 = arith.mulf %get3A_321, %mul3A_323 : vector<16xf32>
        %swap3A_325 = arith.index_cast %scan3A_317 : i32 to index
        %swap3A_326 = arith.constant 0 : index
        %swap3A_327 = tpu.vector_load %arg10[%swap3A_325, %swap3A_326] {strides = array<i32>} : memref<128x64xf32, #tpu.memory_space<vmem>>, vector<1x16xf32>,
        %swap3A_328 = vector.shape_cast %swap3A_327 : vector<1x16xf32> to vector<16xf32>
        %swap3A_329 = vector.shape_cast %mul3A_324 : vector<16xf32> to vector<1x16xf32>
        tpu.vector_store %arg10[%swap3A_325, %swap3A_326], %swap3A_329 {strides = array<i32>} : memref<128x64xf32, #tpu.memory_space<vmem>>, vector<1x16xf32>,
        %get3A_330 = arith.index_cast %scan3A_317 : i32 to index
        %get3A_331 = arith.constant 16 : index
        %get3A_332 = tpu.vector_load %arg6[%get3A_330, %get3A_331] {strides = array<i32>} : memref<128x128xf32, #tpu.memory_space<vmem>>, vector<1x16xf32>,
        %get3A_333 = vector.shape_cast %get3A_332 : vector<1x16xf32> to vector<16xf32>
        %mul3A_334 = arith.constant 8.000000e+00 : f32
        %mul3A_335 = vector.broadcast %mul3A_334 : f32 to vector<16xf32>
        %mul3A_336 = arith.mulf %get3A_333, %mul3A_335 : vector<16xf32>
        %swap3A_337 = arith.index_cast %scan3A_317 : i32 to index
        %swap3A_338 = arith.constant 16 : index
        %swap3A_339 = tpu.vector_load %arg10[%swap3A_337, %swap3A_338] {strides = array<i32>} : memref<128x64xf32, #tpu.memory_space<vmem>>, vector<1x16xf32>,
        %swap3A_340 = vector.shape_cast %swap3A_339 : vector<1x16xf32> to vector<16xf32>
        %swap3A_341 = vector.shape_cast %mul3A_336 : vector<16xf32> to vector<1x16xf32>
        tpu.vector_store %arg10[%swap3A_337, %swap3A_338], %swap3A_341 {strides = array<i32>} : memref<128x64xf32, #tpu.memory_space<vmem>>, vector<1x16xf32>,
        %get3A_342 = arith.index_cast %scan3A_317 : i32 to index
        %get3A_343 = arith.constant 32 : index
        %get3A_344 = tpu.vector_load %arg6[%get3A_342, %get3A_343] {strides = array<i32>} : memref<128x128xf32, #tpu.memory_space<vmem>>, vector<1x16xf32>,
        %get3A_345 = vector.shape_cast %get3A_344 : vector<1x16xf32> to vector<16xf32>
        %mul3A_346 = arith.constant 8.000000e+00 : f32
        %mul3A_347 = vector.broadcast %mul3A_346 : f32 to vector<16xf32>
        %mul3A_348 = arith.mulf %get3A_345, %mul3A_347 : vector<16xf32>
        %swap3A_349 = arith.index_cast %scan3A_317 : i32 to index
        %swap3A_350 = arith.constant 32 : index
        %swap3A_351 = tpu.vector_load %arg10[%swap3A_349, %swap3A_350] {strides = array<i32>} : memref<128x64xf32, #tpu.memory_space<vmem>>, vector<1x16xf32>,
        %swap3A_352 = vector.shape_cast %swap3A_351 : vector<1x16xf32> to vector<16xf32>
        %swap3A_353 = vector.shape_cast %mul3A_348 : vector<16xf32> to vector<1x16xf32>
        tpu.vector_store %arg10[%swap3A_349, %swap3A_350], %swap3A_353 {strides = array<i32>} : memref<128x64xf32, #tpu.memory_space<vmem>>, vector<1x16xf32>,
        %get3A_354 = arith.index_cast %scan3A_317 : i32 to index
        %get3A_355 = arith.constant 48 : index
        %get3A_356 = tpu.vector_load %arg6[%get3A_354, %get3A_355] {strides = array<i32>} : memref<128x128xf32, #tpu.memory_space<vmem>>, vector<1x16xf32>,
        %get3A_357 = vector.shape_cast %get3A_356 : vector<1x16xf32> to vector<16xf32>
        %mul3A_358 = arith.constant 8.000000e+00 : f32
        %mul3A_359 = vector.broadcast %mul3A_358 : f32 to vector<16xf32>
        %mul3A_360 = arith.mulf %get3A_357, %mul3A_359 : vector<16xf32>
        %swap3A_361 = arith.index_cast %scan3A_317 : i32 to index
        %swap3A_362 = arith.constant 48 : index
        %swap3A_363 = tpu.vector_load %arg10[%swap3A_361, %swap3A_362] {strides = array<i32>} : memref<128x64xf32, #tpu.memory_space<vmem>>, vector<1x16xf32>,
        %swap3A_364 = vector.shape_cast %swap3A_363 : vector<1x16xf32> to vector<16xf32>
        %swap3A_365 = vector.shape_cast %mul3A_360 : vector<16xf32> to vector<1x16xf32>
        tpu.vector_store %arg10[%swap3A_361, %swap3A_362], %swap3A_365 {strides = array<i32>} : memref<128x64xf32, #tpu.memory_space<vmem>>, vector<1x16xf32>,
      }
      %scan3A_56 = arith.constant 128 : i32
      %mul3A_57 = arith.constant 128 : i32
      %mul3A_58 = arith.muli %add3A_35, %mul3A_57 : i32
      %add3A_59 = arith.addi %mul3A_4, %mul3A_58 : i32
      %dma_start3A_60 = arith.constant 0 : i32
      %dma_start3A_61 = tpu.memref_slice %arg4[%add3A_59, %dma_start3A_60] : memref<819200x64xf32, #tpu.memory_space<hbm>> -> memref<128x64xf32, #tpu.memory_space<hbm>>
      %dma_start3A_62 = arith.constant 0 : i32
      %dma_start3A_63 = tpu.memref_slice %arg4[%add3A_59, %dma_start3A_62] : memref<819200x64xf32, #tpu.memory_space<hbm>> -> memref<128x64xf32, #tpu.memory_space<hbm>>
      tpu.enqueue_dma source(%arg10 : memref<128x64xf32, #tpu.memory_space<vmem>>) target(%dma_start3A_63 : memref<128x64xf32, #tpu.memory_space<hbm>>) target_semaphore(%arg16 : memref<!tpu.dma_semaphore, #tpu.memory_space<semaphore_mem>>)
      %add3A_64 = arith.constant 1 : i32
      %add3A_65 = arith.addi %mul3A_33, %add3A_64 : i32
      %add3A_66 = arith.constant 4 : i32
      %add3A_67 = arith.addi %add3A_65, %add3A_66 : i32
      %sub3A_68 = arith.constant 1 : i32
      %sub3A_69 = arith.subi %add3A_67, %sub3A_68 : i32
      %lt3A_70 = arith.constant 200 : i32
      %lt3A_71 = arith.cmpi slt, %sub3A_69, %lt3A_70 : i32
      %convert_element_type3A_72 = arith.extui %lt3A_71 : i1 to i32
      %cond3A_73 = arith.constant 0 : i32
      %cond3A_74 = arith.cmpi ne, %convert_element_type3A_72, %cond3A_73 : i32
      scf.if %cond3A_74 {
        %add3A_169 = arith.constant 4 : i32
        %add3A_170 = arith.addi %add3A_65, %add3A_169 : i32
        %sub3A_171 = arith.constant 1 : i32
        %sub3A_172 = arith.subi %add3A_170, %sub3A_171 : i32
        %mul3A_173 = arith.constant 128 : i32
        %mul3A_174 = arith.muli %sub3A_172, %mul3A_173 : i32
        %dma_start3A_175 = tpu.memref_slice %arg5[%mul3A_174] : memref<25600xi32, #tpu.memory_space<vmem>> -> memref<128xi32, #tpu.memory_space<vmem>>
        %dma_start3A_176 = arith.constant 0 : i32
        %dma_start3A_177 = arith.constant 0 : i32
        %dma_start3A_178 = tpu.memref_slice %arg3[%dma_start3A_176, %dma_start3A_177] : memref<1000000x128xf32, #tpu.memory_space<hbm>> -> memref<1000000x128xf32, #tpu.memory_space<hbm>>
        tpu.enqueue_indirect_dma source(%dma_start3A_178 : memref<1000000x128xf32, #tpu.memory_space<hbm>>) target(%arg6 : memref<128x128xf32, #tpu.memory_space<vmem>>) offsets(%dma_start3A_175 : memref<128xi32, #tpu.memory_space<vmem>>) semaphore(%arg12 : memref<!tpu.dma_semaphore, #tpu.memory_space<semaphore_mem>>)
      } else {
      }
      %mul3A_75 = arith.constant 128 : i32
      %mul3A_76 = arith.muli %add3A_65, %mul3A_75 : i32
      %dma_wait3A_77 = tpu.memref_slice %arg5[%mul3A_76] : memref<25600xi32, #tpu.memory_space<vmem>> -> memref<128xi32, #tpu.memory_space<vmem>>
      %dma_wait3A_78 = arith.constant 0 : i32
      %dma_wait3A_79 = arith.constant 0 : i32
      %dma_wait3A_80 = tpu.memref_slice %arg3[%dma_wait3A_78, %dma_wait3A_79] : memref<1000000x128xf32, #tpu.memory_space<hbm>> -> memref<1000000x128xf32, #tpu.memory_space<hbm>>
      tpu.wait_indirect_dma semaphore(%arg13 : memref<!tpu.dma_semaphore, #tpu.memory_space<semaphore_mem>>) src(%dma_wait3A_80 : memref<1000000x128xf32, #tpu.memory_space<hbm>>) dst(%arg7 : memref<128x128xf32, #tpu.memory_space<vmem>>)
      %ge3A_81 = arith.constant 2 : i32
      %ge3A_82 = arith.cmpi sge, %add3A_65, %ge3A_81 : i32
      %convert_element_type3A_83 = arith.extui %ge3A_82 : i1 to i32
      %cond3A_84 = arith.constant 0 : i32
      %cond3A_85 = arith.cmpi ne, %convert_element_type3A_83, %cond3A_84 : i32
      scf.if %cond3A_85 {
        %dma_wait3A_169 = arith.constant 0 : i32
        %dma_wait3A_170 = tpu.memref_slice %arg4[%mul3A_4, %dma_wait3A_169] : memref<819200x64xf32, #tpu.memory_space<hbm>> -> memref<128x64xf32, #tpu.memory_space<hbm>>
        %dma_wait3A_171 = arith.constant 0 : i32
        %dma_wait3A_172 = tpu.memref_slice %arg4[%mul3A_4, %dma_wait3A_171] : memref<819200x64xf32, #tpu.memory_space<hbm>> -> memref<128x64xf32, #tpu.memory_space<hbm>>
        tpu.wait_dma2 semaphore(%arg17 : memref<!tpu.dma_semaphore, #tpu.memory_space<semaphore_mem>>) src(%arg11 : memref<128x64xf32, #tpu.memory_space<vmem>>) dst(%dma_wait3A_172 : memref<128x64xf32, #tpu.memory_space<hbm>>)
      } else {
      }
      %scan3A_86 = arith.constant 0 : i32
      %scan3A_87 = arith.constant 0 : i32
      %scan3A_88 = arith.constant 128 : i32
      %scan3A_89 = arith.addi %scan3A_87, %scan3A_88 : i32
      %scan3A_90 = arith.constant 4 : i32
      scf.for %scan3A_169 = %scan3A_87 to %scan3A_89 step %scan3A_90  : i32 {
        %get3A = arith.index_cast %scan3A_169 : i32 to index
        %get3A_170 = arith.constant 0 : index
        %get3A_171 = tpu.vector_load %arg7[%get3A, %get3A_170] {strides = array<i32>} : memref<128x128xf32, #tpu.memory_space<vmem>>, vector<1x16xf32>,
        %get3A_172 = vector.shape_cast %get3A_171 : vector<1x16xf32> to vector<16xf32>
        %mul3A_173 = arith.constant 8.000000e+00 : f32
        %mul3A_174 = vector.broadcast %mul3A_173 : f32 to vector<16xf32>
        %mul3A_175 = arith.mulf %get3A_172, %mul3A_174 : vector<16xf32>
        %swap3A = arith.index_cast %scan3A_169 : i32 to index
        %swap3A_176 = arith.constant 0 : index
        %swap3A_177 = tpu.vector_load %arg11[%swap3A, %swap3A_176] {strides = array<i32>} : memref<128x64xf32, #tpu.memory_space<vmem>>, vector<1x16xf32>,
        %swap3A_178 = vector.shape_cast %swap3A_177 : vector<1x16xf32> to vector<16xf32>
        %swap3A_179 = vector.shape_cast %mul3A_175 : vector<16xf32> to vector<1x16xf32>
        tpu.vector_store %arg11[%swap3A, %swap3A_176], %swap3A_179 {strides = array<i32>} : memref<128x64xf32, #tpu.memory_space<vmem>>, vector<1x16xf32>,
        %get3A_180 = arith.index_cast %scan3A_169 : i32 to index
        %get3A_181 = arith.constant 16 : index
        %get3A_182 = tpu.vector_load %arg7[%get3A_180, %get3A_181] {strides = array<i32>} : memref<128x128xf32, #tpu.memory_space<vmem>>, vector<1x16xf32>,
        %get3A_183 = vector.shape_cast %get3A_182 : vector<1x16xf32> to vector<16xf32>
        %mul3A_184 = arith.constant 8.000000e+00 : f32
        %mul3A_185 = vector.broadcast %mul3A_184 : f32 to vector<16xf32>
        %mul3A_186 = arith.mulf %get3A_183, %mul3A_185 : vector<16xf32>
        %swap3A_187 = arith.index_cast %scan3A_169 : i32 to index
        %swap3A_188 = arith.constant 16 : index
        %swap3A_189 = tpu.vector_load %arg11[%swap3A_187, %swap3A_188] {strides = array<i32>} : memref<128x64xf32, #tpu.memory_space<vmem>>, vector<1x16xf32>,
        %swap3A_190 = vector.shape_cast %swap3A_189 : vector<1x16xf32> to vector<16xf32>
        %swap3A_191 = vector.shape_cast %mul3A_186 : vector<16xf32> to vector<1x16xf32>
        tpu.vector_store %arg11[%swap3A_187, %swap3A_188], %swap3A_191 {strides = array<i32>} : memref<128x64xf32, #tpu.memory_space<vmem>>, vector<1x16xf32>,
        %get3A_192 = arith.index_cast %scan3A_169 : i32 to index
        %get3A_193 = arith.constant 32 : index
        %get3A_194 = tpu.vector_load %arg7[%get3A_192, %get3A_193] {strides = array<i32>} : memref<128x128xf32, #tpu.memory_space<vmem>>, vector<1x16xf32>,
        %get3A_195 = vector.shape_cast %get3A_194 : vector<1x16xf32> to vector<16xf32>
        %mul3A_196 = arith.constant 8.000000e+00 : f32
        %mul3A_197 = vector.broadcast %mul3A_196 : f32 to vector<16xf32>
        %mul3A_198 = arith.mulf %get3A_195, %mul3A_197 : vector<16xf32>
        %swap3A_199 = arith.index_cast %scan3A_169 : i32 to index
        %swap3A_200 = arith.constant 32 : index
        %swap3A_201 = tpu.vector_load %arg11[%swap3A_199, %swap3A_200] {strides = array<i32>} : memref<128x64xf32, #tpu.memory_space<vmem>>, vector<1x16xf32>,
        %swap3A_202 = vector.shape_cast %swap3A_201 : vector<1x16xf32> to vector<16xf32>
        %swap3A_203 = vector.shape_cast %mul3A_198 : vector<16xf32> to vector<1x16xf32>
        tpu.vector_store %arg11[%swap3A_199, %swap3A_200], %swap3A_203 {strides = array<i32>} : memref<128x64xf32, #tpu.memory_space<vmem>>, vector<1x16xf32>,
        %get3A_204 = arith.index_cast %scan3A_169 : i32 to index
        %get3A_205 = arith.constant 48 : index
        %get3A_206 = tpu.vector_load %arg7[%get3A_204, %get3A_205] {strides = array<i32>} : memref<128x128xf32, #tpu.memory_space<vmem>>, vector<1x16xf32>,
        %get3A_207 = vector.shape_cast %get3A_206 : vector<1x16xf32> to vector<16xf32>
        %mul3A_208 = arith.constant 8.000000e+00 : f32
        %mul3A_209 = vector.broadcast %mul3A_208 : f32 to vector<16xf32>
        %mul3A_210 = arith.mulf %get3A_207, %mul3A_209 : vector<16xf32>
        %swap3A_211 = arith.index_cast %scan3A_169 : i32 to index
        %swap3A_212 = arith.constant 48 : index
        %swap3A_213 = tpu.vector_load %arg11[%swap3A_211, %swap3A_212] {strides = array<i32>} : memref<128x64xf32, #tpu.memory_space<vmem>>, vector<1x16xf32>,
        %swap3A_214 = vector.shape_cast %swap3A_213 : vector<1x16xf32> to vector<16xf32>
        %swap3A_215 = vector.shape_cast %mul3A_210 : vector<16xf32> to vector<1x16xf32>
        tpu.vector_store %arg11[%swap3A_211, %swap3A_212], %swap3A_215 {strides = array<i32>} : memref<128x64xf32, #tpu.memory_space<vmem>>, vector<1x16xf32>,
        %scan3A_216 = arith.constant 1 : i32
        %scan3A_217 = arith.addi %scan3A_169, %scan3A_216 : i32
        %get3A_218 = arith.index_cast %scan3A_217 : i32 to index
        %get3A_219 = arith.constant 0 : index
        %get3A_220 = tpu.vector_load %arg7[%get3A_218, %get3A_219] {strides = array<i32>} : memref<128x128xf32, #tpu.memory_space<vmem>>, vector<1x16xf32>,
        %get3A_221 = vector.shape_cast %get3A_220 : vector<1x16xf32> to vector<16xf32>
        %mul3A_222 = arith.constant 8.000000e+00 : f32
        %mul3A_223 = vector.broadcast %mul3A_222 : f32 to vector<16xf32>
        %mul3A_224 = arith.mulf %get3A_221, %mul3A_223 : vector<16xf32>
        %swap3A_225 = arith.index_cast %scan3A_217 : i32 to index
        %swap3A_226 = arith.constant 0 : index
        %swap3A_227 = tpu.vector_load %arg11[%swap3A_225, %swap3A_226] {strides = array<i32>} : memref<128x64xf32, #tpu.memory_space<vmem>>, vector<1x16xf32>,
        %swap3A_228 = vector.shape_cast %swap3A_227 : vector<1x16xf32> to vector<16xf32>
        %swap3A_229 = vector.shape_cast %mul3A_224 : vector<16xf32> to vector<1x16xf32>
        tpu.vector_store %arg11[%swap3A_225, %swap3A_226], %swap3A_229 {strides = array<i32>} : memref<128x64xf32, #tpu.memory_space<vmem>>, vector<1x16xf32>,
        %get3A_230 = arith.index_cast %scan3A_217 : i32 to index
        %get3A_231 = arith.constant 16 : index
        %get3A_232 = tpu.vector_load %arg7[%get3A_230, %get3A_231] {strides = array<i32>} : memref<128x128xf32, #tpu.memory_space<vmem>>, vector<1x16xf32>,
        %get3A_233 = vector.shape_cast %get3A_232 : vector<1x16xf32> to vector<16xf32>
        %mul3A_234 = arith.constant 8.000000e+00 : f32
        %mul3A_235 = vector.broadcast %mul3A_234 : f32 to vector<16xf32>
        %mul3A_236 = arith.mulf %get3A_233, %mul3A_235 : vector<16xf32>
        %swap3A_237 = arith.index_cast %scan3A_217 : i32 to index
        %swap3A_238 = arith.constant 16 : index
        %swap3A_239 = tpu.vector_load %arg11[%swap3A_237, %swap3A_238] {strides = array<i32>} : memref<128x64xf32, #tpu.memory_space<vmem>>, vector<1x16xf32>,
        %swap3A_240 = vector.shape_cast %swap3A_239 : vector<1x16xf32> to vector<16xf32>
        %swap3A_241 = vector.shape_cast %mul3A_236 : vector<16xf32> to vector<1x16xf32>
        tpu.vector_store %arg11[%swap3A_237, %swap3A_238], %swap3A_241 {strides = array<i32>} : memref<128x64xf32, #tpu.memory_space<vmem>>, vector<1x16xf32>,
        %get3A_242 = arith.index_cast %scan3A_217 : i32 to index
        %get3A_243 = arith.constant 32 : index
        %get3A_244 = tpu.vector_load %arg7[%get3A_242, %get3A_243] {strides = array<i32>} : memref<128x128xf32, #tpu.memory_space<vmem>>, vector<1x16xf32>,
        %get3A_245 = vector.shape_cast %get3A_244 : vector<1x16xf32> to vector<16xf32>
        %mul3A_246 = arith.constant 8.000000e+00 : f32
        %mul3A_247 = vector.broadcast %mul3A_246 : f32 to vector<16xf32>
        %mul3A_248 = arith.mulf %get3A_245, %mul3A_247 : vector<16xf32>
        %swap3A_249 = arith.index_cast %scan3A_217 : i32 to index
        %swap3A_250 = arith.constant 32 : index
        %swap3A_251 = tpu.vector_load %arg11[%swap3A_249, %swap3A_250] {strides = array<i32>} : memref<128x64xf32, #tpu.memory_space<vmem>>, vector<1x16xf32>,
        %swap3A_252 = vector.shape_cast %swap3A_251 : vector<1x16xf32> to vector<16xf32>
        %swap3A_253 = vector.shape_cast %mul3A_248 : vector<16xf32> to vector<1x16xf32>
        tpu.vector_store %arg11[%swap3A_249, %swap3A_250], %swap3A_253 {strides = array<i32>} : memref<128x64xf32, #tpu.memory_space<vmem>>, vector<1x16xf32>,
        %get3A_254 = arith.index_cast %scan3A_217 : i32 to index
        %get3A_255 = arith.constant 48 : index
        %get3A_256 = tpu.vector_load %arg7[%get3A_254, %get3A_255] {strides = array<i32>} : memref<128x128xf32, #tpu.memory_space<vmem>>, vector<1x16xf32>,
        %get3A_257 = vector.shape_cast %get3A_256 : vector<1x16xf32> to vector<16xf32>
        %mul3A_258 = arith.constant 8.000000e+00 : f32
        %mul3A_259 = vector.broadcast %mul3A_258 : f32 to vector<16xf32>
        %mul3A_260 = arith.mulf %get3A_257, %mul3A_259 : vector<16xf32>
        %swap3A_261 = arith.index_cast %scan3A_217 : i32 to index
        %swap3A_262 = arith.constant 48 : index
        %swap3A_263 = tpu.vector_load %arg11[%swap3A_261, %swap3A_262] {strides = array<i32>} : memref<128x64xf32, #tpu.memory_space<vmem>>, vector<1x16xf32>,
        %swap3A_264 = vector.shape_cast %swap3A_263 : vector<1x16xf32> to vector<16xf32>
        %swap3A_265 = vector.shape_cast %mul3A_260 : vector<16xf32> to vector<1x16xf32>
        tpu.vector_store %arg11[%swap3A_261, %swap3A_262], %swap3A_265 {strides = array<i32>} : memref<128x64xf32, #tpu.memory_space<vmem>>, vector<1x16xf32>,
        %scan3A_266 = arith.constant 2 : i32
        %scan3A_267 = arith.addi %scan3A_169, %scan3A_266 : i32
        %get3A_268 = arith.index_cast %scan3A_267 : i32 to index
        %get3A_269 = arith.constant 0 : index
        %get3A_270 = tpu.vector_load %arg7[%get3A_268, %get3A_269] {strides = array<i32>} : memref<128x128xf32, #tpu.memory_space<vmem>>, vector<1x16xf32>,
        %get3A_271 = vector.shape_cast %get3A_270 : vector<1x16xf32> to vector<16xf32>
        %mul3A_272 = arith.constant 8.000000e+00 : f32
        %mul3A_273 = vector.broadcast %mul3A_272 : f32 to vector<16xf32>
        %mul3A_274 = arith.mulf %get3A_271, %mul3A_273 : vector<16xf32>
        %swap3A_275 = arith.index_cast %scan3A_267 : i32 to index
        %swap3A_276 = arith.constant 0 : index
        %swap3A_277 = tpu.vector_load %arg11[%swap3A_275, %swap3A_276] {strides = array<i32>} : memref<128x64xf32, #tpu.memory_space<vmem>>, vector<1x16xf32>,
        %swap3A_278 = vector.shape_cast %swap3A_277 : vector<1x16xf32> to vector<16xf32>
        %swap3A_279 = vector.shape_cast %mul3A_274 : vector<16xf32> to vector<1x16xf32>
        tpu.vector_store %arg11[%swap3A_275, %swap3A_276], %swap3A_279 {strides = array<i32>} : memref<128x64xf32, #tpu.memory_space<vmem>>, vector<1x16xf32>,
        %get3A_280 = arith.index_cast %scan3A_267 : i32 to index
        %get3A_281 = arith.constant 16 : index
        %get3A_282 = tpu.vector_load %arg7[%get3A_280, %get3A_281] {strides = array<i32>} : memref<128x128xf32, #tpu.memory_space<vmem>>, vector<1x16xf32>,
        %get3A_283 = vector.shape_cast %get3A_282 : vector<1x16xf32> to vector<16xf32>
        %mul3A_284 = arith.constant 8.000000e+00 : f32
        %mul3A_285 = vector.broadcast %mul3A_284 : f32 to vector<16xf32>
        %mul3A_286 = arith.mulf %get3A_283, %mul3A_285 : vector<16xf32>
        %swap3A_287 = arith.index_cast %scan3A_267 : i32 to index
        %swap3A_288 = arith.constant 16 : index
        %swap3A_289 = tpu.vector_load %arg11[%swap3A_287, %swap3A_288] {strides = array<i32>} : memref<128x64xf32, #tpu.memory_space<vmem>>, vector<1x16xf32>,
        %swap3A_290 = vector.shape_cast %swap3A_289 : vector<1x16xf32> to vector<16xf32>
        %swap3A_291 = vector.shape_cast %mul3A_286 : vector<16xf32> to vector<1x16xf32>
        tpu.vector_store %arg11[%swap3A_287, %swap3A_288], %swap3A_291 {strides = array<i32>} : memref<128x64xf32, #tpu.memory_space<vmem>>, vector<1x16xf32>,
        %get3A_292 = arith.index_cast %scan3A_267 : i32 to index
        %get3A_293 = arith.constant 32 : index
        %get3A_294 = tpu.vector_load %arg7[%get3A_292, %get3A_293] {strides = array<i32>} : memref<128x128xf32, #tpu.memory_space<vmem>>, vector<1x16xf32>,
        %get3A_295 = vector.shape_cast %get3A_294 : vector<1x16xf32> to vector<16xf32>
        %mul3A_296 = arith.constant 8.000000e+00 : f32
        %mul3A_297 = vector.broadcast %mul3A_296 : f32 to vector<16xf32>
        %mul3A_298 = arith.mulf %get3A_295, %mul3A_297 : vector<16xf32>
        %swap3A_299 = arith.index_cast %scan3A_267 : i32 to index
        %swap3A_300 = arith.constant 32 : index
        %swap3A_301 = tpu.vector_load %arg11[%swap3A_299, %swap3A_300] {strides = array<i32>} : memref<128x64xf32, #tpu.memory_space<vmem>>, vector<1x16xf32>,
        %swap3A_302 = vector.shape_cast %swap3A_301 : vector<1x16xf32> to vector<16xf32>
        %swap3A_303 = vector.shape_cast %mul3A_298 : vector<16xf32> to vector<1x16xf32>
        tpu.vector_store %arg11[%swap3A_299, %swap3A_300], %swap3A_303 {strides = array<i32>} : memref<128x64xf32, #tpu.memory_space<vmem>>, vector<1x16xf32>,
        %get3A_304 = arith.index_cast %scan3A_267 : i32 to index
        %get3A_305 = arith.constant 48 : index
        %get3A_306 = tpu.vector_load %arg7[%get3A_304, %get3A_305] {strides = array<i32>} : memref<128x128xf32, #tpu.memory_space<vmem>>, vector<1x16xf32>,
        %get3A_307 = vector.shape_cast %get3A_306 : vector<1x16xf32> to vector<16xf32>
        %mul3A_308 = arith.constant 8.000000e+00 : f32
        %mul3A_309 = vector.broadcast %mul3A_308 : f32 to vector<16xf32>
        %mul3A_310 = arith.mulf %get3A_307, %mul3A_309 : vector<16xf32>
        %swap3A_311 = arith.index_cast %scan3A_267 : i32 to index
        %swap3A_312 = arith.constant 48 : index
        %swap3A_313 = tpu.vector_load %arg11[%swap3A_311, %swap3A_312] {strides = array<i32>} : memref<128x64xf32, #tpu.memory_space<vmem>>, vector<1x16xf32>,
        %swap3A_314 = vector.shape_cast %swap3A_313 : vector<1x16xf32> to vector<16xf32>
        %swap3A_315 = vector.shape_cast %mul3A_310 : vector<16xf32> to vector<1x16xf32>
        tpu.vector_store %arg11[%swap3A_311, %swap3A_312], %swap3A_315 {strides = array<i32>} : memref<128x64xf32, #tpu.memory_space<vmem>>, vector<1x16xf32>,
        %scan3A_316 = arith.constant 3 : i32
        %scan3A_317 = arith.addi %scan3A_169, %scan3A_316 : i32
        %get3A_318 = arith.index_cast %scan3A_317 : i32 to index
        %get3A_319 = arith.constant 0 : index
        %get3A_320 = tpu.vector_load %arg7[%get3A_318, %get3A_319] {strides = array<i32>} : memref<128x128xf32, #tpu.memory_space<vmem>>, vector<1x16xf32>,
        %get3A_321 = vector.shape_cast %get3A_320 : vector<1x16xf32> to vector<16xf32>
        %mul3A_322 = arith.constant 8.000000e+00 : f32
        %mul3A_323 = vector.broadcast %mul3A_322 : f32 to vector<16xf32>
        %mul3A_324 = arith.mulf %get3A_321, %mul3A_323 : vector<16xf32>
        %swap3A_325 = arith.index_cast %scan3A_317 : i32 to index
        %swap3A_326 = arith.constant 0 : index
        %swap3A_327 = tpu.vector_load %arg11[%swap3A_325, %swap3A_326] {strides = array<i32>} : memref<128x64xf32, #tpu.memory_space<vmem>>, vector<1x16xf32>,
        %swap3A_328 = vector.shape_cast %swap3A_327 : vector<1x16xf32> to vector<16xf32>
        %swap3A_329 = vector.shape_cast %mul3A_324 : vector<16xf32> to vector<1x16xf32>
        tpu.vector_store %arg11[%swap3A_325, %swap3A_326], %swap3A_329 {strides = array<i32>} : memref<128x64xf32, #tpu.memory_space<vmem>>, vector<1x16xf32>,
        %get3A_330 = arith.index_cast %scan3A_317 : i32 to index
        %get3A_331 = arith.constant 16 : index
        %get3A_332 = tpu.vector_load %arg7[%get3A_330, %get3A_331] {strides = array<i32>} : memref<128x128xf32, #tpu.memory_space<vmem>>, vector<1x16xf32>,
        %get3A_333 = vector.shape_cast %get3A_332 : vector<1x16xf32> to vector<16xf32>
        %mul3A_334 = arith.constant 8.000000e+00 : f32
        %mul3A_335 = vector.broadcast %mul3A_334 : f32 to vector<16xf32>
        %mul3A_336 = arith.mulf %get3A_333, %mul3A_335 : vector<16xf32>
        %swap3A_337 = arith.index_cast %scan3A_317 : i32 to index
        %swap3A_338 = arith.constant 16 : index
        %swap3A_339 = tpu.vector_load %arg11[%swap3A_337, %swap3A_338] {strides = array<i32>} : memref<128x64xf32, #tpu.memory_space<vmem>>, vector<1x16xf32>,
        %swap3A_340 = vector.shape_cast %swap3A_339 : vector<1x16xf32> to vector<16xf32>
        %swap3A_341 = vector.shape_cast %mul3A_336 : vector<16xf32> to vector<1x16xf32>
        tpu.vector_store %arg11[%swap3A_337, %swap3A_338], %swap3A_341 {strides = array<i32>} : memref<128x64xf32, #tpu.memory_space<vmem>>, vector<1x16xf32>,
        %get3A_342 = arith.index_cast %scan3A_317 : i32 to index
        %get3A_343 = arith.constant 32 : index
        %get3A_344 = tpu.vector_load %arg7[%get3A_342, %get3A_343] {strides = array<i32>} : memref<128x128xf32, #tpu.memory_space<vmem>>, vector<1x16xf32>,
        %get3A_345 = vector.shape_cast %get3A_344 : vector<1x16xf32> to vector<16xf32>
        %mul3A_346 = arith.constant 8.000000e+00 : f32
        %mul3A_347 = vector.broadcast %mul3A_346 : f32 to vector<16xf32>
        %mul3A_348 = arith.mulf %get3A_345, %mul3A_347 : vector<16xf32>
        %swap3A_349 = arith.index_cast %scan3A_317 : i32 to index
        %swap3A_350 = arith.constant 32 : index
        %swap3A_351 = tpu.vector_load %arg11[%swap3A_349, %swap3A_350] {strides = array<i32>} : memref<128x64xf32, #tpu.memory_space<vmem>>, vector<1x16xf32>,
        %swap3A_352 = vector.shape_cast %swap3A_351 : vector<1x16xf32> to vector<16xf32>
        %swap3A_353 = vector.shape_cast %mul3A_348 : vector<16xf32> to vector<1x16xf32>
        tpu.vector_store %arg11[%swap3A_349, %swap3A_350], %swap3A_353 {strides = array<i32>} : memref<128x64xf32, #tpu.memory_space<vmem>>, vector<1x16xf32>,
        %get3A_354 = arith.index_cast %scan3A_317 : i32 to index
        %get3A_355 = arith.constant 48 : index
        %get3A_356 = tpu.vector_load %arg7[%get3A_354, %get3A_355] {strides = array<i32>} : memref<128x128xf32, #tpu.memory_space<vmem>>, vector<1x16xf32>,
        %get3A_357 = vector.shape_cast %get3A_356 : vector<1x16xf32> to vector<16xf32>
        %mul3A_358 = arith.constant 8.000000e+00 : f32
        %mul3A_359 = vector.broadcast %mul3A_358 : f32 to vector<16xf32>
        %mul3A_360 = arith.mulf %get3A_357, %mul3A_359 : vector<16xf32>
        %swap3A_361 = arith.index_cast %scan3A_317 : i32 to index
        %swap3A_362 = arith.constant 48 : index
        %swap3A_363 = tpu.vector_load %arg11[%swap3A_361, %swap3A_362] {strides = array<i32>} : memref<128x64xf32, #tpu.memory_space<vmem>>, vector<1x16xf32>,
        %swap3A_364 = vector.shape_cast %swap3A_363 : vector<1x16xf32> to vector<16xf32>
        %swap3A_365 = vector.shape_cast %mul3A_360 : vector<16xf32> to vector<1x16xf32>
        tpu.vector_store %arg11[%swap3A_361, %swap3A_362], %swap3A_365 {strides = array<i32>} : memref<128x64xf32, #tpu.memory_space<vmem>>, vector<1x16xf32>,
      }
      %scan3A_91 = arith.constant 128 : i32
      %mul3A_92 = arith.constant 128 : i32
      %mul3A_93 = arith.muli %add3A_65, %mul3A_92 : i32
      %add3A_94 = arith.addi %mul3A_4, %mul3A_93 : i32
      %dma_start3A_95 = arith.constant 0 : i32
      %dma_start3A_96 = tpu.memref_slice %arg4[%add3A_94, %dma_start3A_95] : memref<819200x64xf32, #tpu.memory_space<hbm>> -> memref<128x64xf32, #tpu.memory_space<hbm>>
      %dma_start3A_97 = arith.constant 0 : i32
      %dma_start3A_98 = tpu.memref_slice %arg4[%add3A_94, %dma_start3A_97] : memref<819200x64xf32, #tpu.memory_space<hbm>> -> memref<128x64xf32, #tpu.memory_space<hbm>>
      tpu.enqueue_dma source(%arg11 : memref<128x64xf32, #tpu.memory_space<vmem>>) target(%dma_start3A_98 : memref<128x64xf32, #tpu.memory_space<hbm>>) target_semaphore(%arg17 : memref<!tpu.dma_semaphore, #tpu.memory_space<semaphore_mem>>)
      %add3A_99 = arith.constant 2 : i32
      %add3A_100 = arith.addi %mul3A_33, %add3A_99 : i32
      %add3A_101 = arith.constant 4 : i32
      %add3A_102 = arith.addi %add3A_100, %add3A_101 : i32
      %sub3A_103 = arith.constant 1 : i32
      %sub3A_104 = arith.subi %add3A_102, %sub3A_103 : i32
      %lt3A_105 = arith.constant 200 : i32
      %lt3A_106 = arith.cmpi slt, %sub3A_104, %lt3A_105 : i32
      %convert_element_type3A_107 = arith.extui %lt3A_106 : i1 to i32
      %cond3A_108 = arith.constant 0 : i32
      %cond3A_109 = arith.cmpi ne, %convert_element_type3A_107, %cond3A_108 : i32
      scf.if %cond3A_109 {
        %add3A_169 = arith.constant 4 : i32
        %add3A_170 = arith.addi %add3A_100, %add3A_169 : i32
        %sub3A_171 = arith.constant 1 : i32
        %sub3A_172 = arith.subi %add3A_170, %sub3A_171 : i32
        %mul3A_173 = arith.constant 128 : i32
        %mul3A_174 = arith.muli %sub3A_172, %mul3A_173 : i32
        %dma_start3A_175 = tpu.memref_slice %arg5[%mul3A_174] : memref<25600xi32, #tpu.memory_space<vmem>> -> memref<128xi32, #tpu.memory_space<vmem>>
        %dma_start3A_176 = arith.constant 0 : i32
        %dma_start3A_177 = arith.constant 0 : i32
        %dma_start3A_178 = tpu.memref_slice %arg3[%dma_start3A_176, %dma_start3A_177] : memref<1000000x128xf32, #tpu.memory_space<hbm>> -> memref<1000000x128xf32, #tpu.memory_space<hbm>>
        tpu.enqueue_indirect_dma source(%dma_start3A_178 : memref<1000000x128xf32, #tpu.memory_space<hbm>>) target(%arg7 : memref<128x128xf32, #tpu.memory_space<vmem>>) offsets(%dma_start3A_175 : memref<128xi32, #tpu.memory_space<vmem>>) semaphore(%arg13 : memref<!tpu.dma_semaphore, #tpu.memory_space<semaphore_mem>>)
      } else {
      }
      %mul3A_110 = arith.constant 128 : i32
      %mul3A_111 = arith.muli %add3A_100, %mul3A_110 : i32
      %dma_wait3A_112 = tpu.memref_slice %arg5[%mul3A_111] : memref<25600xi32, #tpu.memory_space<vmem>> -> memref<128xi32, #tpu.memory_space<vmem>>
      %dma_wait3A_113 = arith.constant 0 : i32
      %dma_wait3A_114 = arith.constant 0 : i32
      %dma_wait3A_115 = tpu.memref_slice %arg3[%dma_wait3A_113, %dma_wait3A_114] : memref<1000000x128xf32, #tpu.memory_space<hbm>> -> memref<1000000x128xf32, #tpu.memory_space<hbm>>
      tpu.wait_indirect_dma semaphore(%arg14 : memref<!tpu.dma_semaphore, #tpu.memory_space<semaphore_mem>>) src(%dma_wait3A_115 : memref<1000000x128xf32, #tpu.memory_space<hbm>>) dst(%arg8 : memref<128x128xf32, #tpu.memory_space<vmem>>)
      %ge3A_116 = arith.constant 2 : i32
      %ge3A_117 = arith.cmpi sge, %add3A_100, %ge3A_116 : i32
      %convert_element_type3A_118 = arith.extui %ge3A_117 : i1 to i32
      %cond3A_119 = arith.constant 0 : i32
      %cond3A_120 = arith.cmpi ne, %convert_element_type3A_118, %cond3A_119 : i32
      scf.if %cond3A_120 {
        %dma_wait3A_169 = arith.constant 0 : i32
        %dma_wait3A_170 = tpu.memref_slice %arg4[%mul3A_4, %dma_wait3A_169] : memref<819200x64xf32, #tpu.memory_space<hbm>> -> memref<128x64xf32, #tpu.memory_space<hbm>>
        %dma_wait3A_171 = arith.constant 0 : i32
        %dma_wait3A_172 = tpu.memref_slice %arg4[%mul3A_4, %dma_wait3A_171] : memref<819200x64xf32, #tpu.memory_space<hbm>> -> memref<128x64xf32, #tpu.memory_space<hbm>>
        tpu.wait_dma2 semaphore(%arg16 : memref<!tpu.dma_semaphore, #tpu.memory_space<semaphore_mem>>) src(%arg10 : memref<128x64xf32, #tpu.memory_space<vmem>>) dst(%dma_wait3A_172 : memref<128x64xf32, #tpu.memory_space<hbm>>)
      } else {
      }
      %scan3A_121 = arith.constant 0 : i32
      %scan3A_122 = arith.constant 0 : i32
      %scan3A_123 = arith.constant 128 : i32
      %scan3A_124 = arith.addi %scan3A_122, %scan3A_123 : i32
      %scan3A_125 = arith.constant 4 : i32
      scf.for %scan3A_169 = %scan3A_122 to %scan3A_124 step %scan3A_125  : i32 {
        %get3A = arith.index_cast %scan3A_169 : i32 to index
        %get3A_170 = arith.constant 0 : index
        %get3A_171 = tpu.vector_load %arg8[%get3A, %get3A_170] {strides = array<i32>} : memref<128x128xf32, #tpu.memory_space<vmem>>, vector<1x16xf32>,
        %get3A_172 = vector.shape_cast %get3A_171 : vector<1x16xf32> to vector<16xf32>
        %mul3A_173 = arith.constant 8.000000e+00 : f32
        %mul3A_174 = vector.broadcast %mul3A_173 : f32 to vector<16xf32>
        %mul3A_175 = arith.mulf %get3A_172, %mul3A_174 : vector<16xf32>
        %swap3A = arith.index_cast %scan3A_169 : i32 to index
        %swap3A_176 = arith.constant 0 : index
        %swap3A_177 = tpu.vector_load %arg10[%swap3A, %swap3A_176] {strides = array<i32>} : memref<128x64xf32, #tpu.memory_space<vmem>>, vector<1x16xf32>,
        %swap3A_178 = vector.shape_cast %swap3A_177 : vector<1x16xf32> to vector<16xf32>
        %swap3A_179 = vector.shape_cast %mul3A_175 : vector<16xf32> to vector<1x16xf32>
        tpu.vector_store %arg10[%swap3A, %swap3A_176], %swap3A_179 {strides = array<i32>} : memref<128x64xf32, #tpu.memory_space<vmem>>, vector<1x16xf32>,
        %get3A_180 = arith.index_cast %scan3A_169 : i32 to index
        %get3A_181 = arith.constant 16 : index
        %get3A_182 = tpu.vector_load %arg8[%get3A_180, %get3A_181] {strides = array<i32>} : memref<128x128xf32, #tpu.memory_space<vmem>>, vector<1x16xf32>,
        %get3A_183 = vector.shape_cast %get3A_182 : vector<1x16xf32> to vector<16xf32>
        %mul3A_184 = arith.constant 8.000000e+00 : f32
        %mul3A_185 = vector.broadcast %mul3A_184 : f32 to vector<16xf32>
        %mul3A_186 = arith.mulf %get3A_183, %mul3A_185 : vector<16xf32>
        %swap3A_187 = arith.index_cast %scan3A_169 : i32 to index
        %swap3A_188 = arith.constant 16 : index
        %swap3A_189 = tpu.vector_load %arg10[%swap3A_187, %swap3A_188] {strides = array<i32>} : memref<128x64xf32, #tpu.memory_space<vmem>>, vector<1x16xf32>,
        %swap3A_190 = vector.shape_cast %swap3A_189 : vector<1x16xf32> to vector<16xf32>
        %swap3A_191 = vector.shape_cast %mul3A_186 : vector<16xf32> to vector<1x16xf32>
        tpu.vector_store %arg10[%swap3A_187, %swap3A_188], %swap3A_191 {strides = array<i32>} : memref<128x64xf32, #tpu.memory_space<vmem>>, vector<1x16xf32>,
        %get3A_192 = arith.index_cast %scan3A_169 : i32 to index
        %get3A_193 = arith.constant 32 : index
        %get3A_194 = tpu.vector_load %arg8[%get3A_192, %get3A_193] {strides = array<i32>} : memref<128x128xf32, #tpu.memory_space<vmem>>, vector<1x16xf32>,
        %get3A_195 = vector.shape_cast %get3A_194 : vector<1x16xf32> to vector<16xf32>
        %mul3A_196 = arith.constant 8.000000e+00 : f32
        %mul3A_197 = vector.broadcast %mul3A_196 : f32 to vector<16xf32>
        %mul3A_198 = arith.mulf %get3A_195, %mul3A_197 : vector<16xf32>
        %swap3A_199 = arith.index_cast %scan3A_169 : i32 to index
        %swap3A_200 = arith.constant 32 : index
        %swap3A_201 = tpu.vector_load %arg10[%swap3A_199, %swap3A_200] {strides = array<i32>} : memref<128x64xf32, #tpu.memory_space<vmem>>, vector<1x16xf32>,
        %swap3A_202 = vector.shape_cast %swap3A_201 : vector<1x16xf32> to vector<16xf32>
        %swap3A_203 = vector.shape_cast %mul3A_198 : vector<16xf32> to vector<1x16xf32>
        tpu.vector_store %arg10[%swap3A_199, %swap3A_200], %swap3A_203 {strides = array<i32>} : memref<128x64xf32, #tpu.memory_space<vmem>>, vector<1x16xf32>,
        %get3A_204 = arith.index_cast %scan3A_169 : i32 to index
        %get3A_205 = arith.constant 48 : index
        %get3A_206 = tpu.vector_load %arg8[%get3A_204, %get3A_205] {strides = array<i32>} : memref<128x128xf32, #tpu.memory_space<vmem>>, vector<1x16xf32>,
        %get3A_207 = vector.shape_cast %get3A_206 : vector<1x16xf32> to vector<16xf32>
        %mul3A_208 = arith.constant 8.000000e+00 : f32
        %mul3A_209 = vector.broadcast %mul3A_208 : f32 to vector<16xf32>
        %mul3A_210 = arith.mulf %get3A_207, %mul3A_209 : vector<16xf32>
        %swap3A_211 = arith.index_cast %scan3A_169 : i32 to index
        %swap3A_212 = arith.constant 48 : index
        %swap3A_213 = tpu.vector_load %arg10[%swap3A_211, %swap3A_212] {strides = array<i32>} : memref<128x64xf32, #tpu.memory_space<vmem>>, vector<1x16xf32>,
        %swap3A_214 = vector.shape_cast %swap3A_213 : vector<1x16xf32> to vector<16xf32>
        %swap3A_215 = vector.shape_cast %mul3A_210 : vector<16xf32> to vector<1x16xf32>
        tpu.vector_store %arg10[%swap3A_211, %swap3A_212], %swap3A_215 {strides = array<i32>} : memref<128x64xf32, #tpu.memory_space<vmem>>, vector<1x16xf32>,
        %scan3A_216 = arith.constant 1 : i32
        %scan3A_217 = arith.addi %scan3A_169, %scan3A_216 : i32
        %get3A_218 = arith.index_cast %scan3A_217 : i32 to index
        %get3A_219 = arith.constant 0 : index
        %get3A_220 = tpu.vector_load %arg8[%get3A_218, %get3A_219] {strides = array<i32>} : memref<128x128xf32, #tpu.memory_space<vmem>>, vector<1x16xf32>,
        %get3A_221 = vector.shape_cast %get3A_220 : vector<1x16xf32> to vector<16xf32>
        %mul3A_222 = arith.constant 8.000000e+00 : f32
        %mul3A_223 = vector.broadcast %mul3A_222 : f32 to vector<16xf32>
        %mul3A_224 = arith.mulf %get3A_221, %mul3A_223 : vector<16xf32>
        %swap3A_225 = arith.index_cast %scan3A_217 : i32 to index
        %swap3A_226 = arith.constant 0 : index
        %swap3A_227 = tpu.vector_load %arg10[%swap3A_225, %swap3A_226] {strides = array<i32>} : memref<128x64xf32, #tpu.memory_space<vmem>>, vector<1x16xf32>,
        %swap3A_228 = vector.shape_cast %swap3A_227 : vector<1x16xf32> to vector<16xf32>
        %swap3A_229 = vector.shape_cast %mul3A_224 : vector<16xf32> to vector<1x16xf32>
        tpu.vector_store %arg10[%swap3A_225, %swap3A_226], %swap3A_229 {strides = array<i32>} : memref<128x64xf32, #tpu.memory_space<vmem>>, vector<1x16xf32>,
        %get3A_230 = arith.index_cast %scan3A_217 : i32 to index
        %get3A_231 = arith.constant 16 : index
        %get3A_232 = tpu.vector_load %arg8[%get3A_230, %get3A_231] {strides = array<i32>} : memref<128x128xf32, #tpu.memory_space<vmem>>, vector<1x16xf32>,
        %get3A_233 = vector.shape_cast %get3A_232 : vector<1x16xf32> to vector<16xf32>
        %mul3A_234 = arith.constant 8.000000e+00 : f32
        %mul3A_235 = vector.broadcast %mul3A_234 : f32 to vector<16xf32>
        %mul3A_236 = arith.mulf %get3A_233, %mul3A_235 : vector<16xf32>
        %swap3A_237 = arith.index_cast %scan3A_217 : i32 to index
        %swap3A_238 = arith.constant 16 : index
        %swap3A_239 = tpu.vector_load %arg10[%swap3A_237, %swap3A_238] {strides = array<i32>} : memref<128x64xf32, #tpu.memory_space<vmem>>, vector<1x16xf32>,
        %swap3A_240 = vector.shape_cast %swap3A_239 : vector<1x16xf32> to vector<16xf32>
        %swap3A_241 = vector.shape_cast %mul3A_236 : vector<16xf32> to vector<1x16xf32>
        tpu.vector_store %arg10[%swap3A_237, %swap3A_238], %swap3A_241 {strides = array<i32>} : memref<128x64xf32, #tpu.memory_space<vmem>>, vector<1x16xf32>,
        %get3A_242 = arith.index_cast %scan3A_217 : i32 to index
        %get3A_243 = arith.constant 32 : index
        %get3A_244 = tpu.vector_load %arg8[%get3A_242, %get3A_243] {strides = array<i32>} : memref<128x128xf32, #tpu.memory_space<vmem>>, vector<1x16xf32>,
        %get3A_245 = vector.shape_cast %get3A_244 : vector<1x16xf32> to vector<16xf32>
        %mul3A_246 = arith.constant 8.000000e+00 : f32
        %mul3A_247 = vector.broadcast %mul3A_246 : f32 to vector<16xf32>
        %mul3A_248 = arith.mulf %get3A_245, %mul3A_247 : vector<16xf32>
        %swap3A_249 = arith.index_cast %scan3A_217 : i32 to index
        %swap3A_250 = arith.constant 32 : index
        %swap3A_251 = tpu.vector_load %arg10[%swap3A_249, %swap3A_250] {strides = array<i32>} : memref<128x64xf32, #tpu.memory_space<vmem>>, vector<1x16xf32>,
        %swap3A_252 = vector.shape_cast %swap3A_251 : vector<1x16xf32> to vector<16xf32>
        %swap3A_253 = vector.shape_cast %mul3A_248 : vector<16xf32> to vector<1x16xf32>
        tpu.vector_store %arg10[%swap3A_249, %swap3A_250], %swap3A_253 {strides = array<i32>} : memref<128x64xf32, #tpu.memory_space<vmem>>, vector<1x16xf32>,
        %get3A_254 = arith.index_cast %scan3A_217 : i32 to index
        %get3A_255 = arith.constant 48 : index
        %get3A_256 = tpu.vector_load %arg8[%get3A_254, %get3A_255] {strides = array<i32>} : memref<128x128xf32, #tpu.memory_space<vmem>>, vector<1x16xf32>,
        %get3A_257 = vector.shape_cast %get3A_256 : vector<1x16xf32> to vector<16xf32>
        %mul3A_258 = arith.constant 8.000000e+00 : f32
        %mul3A_259 = vector.broadcast %mul3A_258 : f32 to vector<16xf32>
        %mul3A_260 = arith.mulf %get3A_257, %mul3A_259 : vector<16xf32>
        %swap3A_261 = arith.index_cast %scan3A_217 : i32 to index
        %swap3A_262 = arith.constant 48 : index
        %swap3A_263 = tpu.vector_load %arg10[%swap3A_261, %swap3A_262] {strides = array<i32>} : memref<128x64xf32, #tpu.memory_space<vmem>>, vector<1x16xf32>,
        %swap3A_264 = vector.shape_cast %swap3A_263 : vector<1x16xf32> to vector<16xf32>
        %swap3A_265 = vector.shape_cast %mul3A_260 : vector<16xf32> to vector<1x16xf32>
        tpu.vector_store %arg10[%swap3A_261, %swap3A_262], %swap3A_265 {strides = array<i32>} : memref<128x64xf32, #tpu.memory_space<vmem>>, vector<1x16xf32>,
        %scan3A_266 = arith.constant 2 : i32
        %scan3A_267 = arith.addi %scan3A_169, %scan3A_266 : i32
        %get3A_268 = arith.index_cast %scan3A_267 : i32 to index
        %get3A_269 = arith.constant 0 : index
        %get3A_270 = tpu.vector_load %arg8[%get3A_268, %get3A_269] {strides = array<i32>} : memref<128x128xf32, #tpu.memory_space<vmem>>, vector<1x16xf32>,
        %get3A_271 = vector.shape_cast %get3A_270 : vector<1x16xf32> to vector<16xf32>
        %mul3A_272 = arith.constant 8.000000e+00 : f32
        %mul3A_273 = vector.broadcast %mul3A_272 : f32 to vector<16xf32>
        %mul3A_274 = arith.mulf %get3A_271, %mul3A_273 : vector<16xf32>
        %swap3A_275 = arith.index_cast %scan3A_267 : i32 to index
        %swap3A_276 = arith.constant 0 : index
        %swap3A_277 = tpu.vector_load %arg10[%swap3A_275, %swap3A_276] {strides = array<i32>} : memref<128x64xf32, #tpu.memory_space<vmem>>, vector<1x16xf32>,
        %swap3A_278 = vector.shape_cast %swap3A_277 : vector<1x16xf32> to vector<16xf32>
        %swap3A_279 = vector.shape_cast %mul3A_274 : vector<16xf32> to vector<1x16xf32>
        tpu.vector_store %arg10[%swap3A_275, %swap3A_276], %swap3A_279 {strides = array<i32>} : memref<128x64xf32, #tpu.memory_space<vmem>>, vector<1x16xf32>,
        %get3A_280 = arith.index_cast %scan3A_267 : i32 to index
        %get3A_281 = arith.constant 16 : index
        %get3A_282 = tpu.vector_load %arg8[%get3A_280, %get3A_281] {strides = array<i32>} : memref<128x128xf32, #tpu.memory_space<vmem>>, vector<1x16xf32>,
        %get3A_283 = vector.shape_cast %get3A_282 : vector<1x16xf32> to vector<16xf32>
        %mul3A_284 = arith.constant 8.000000e+00 : f32
        %mul3A_285 = vector.broadcast %mul3A_284 : f32 to vector<16xf32>
        %mul3A_286 = arith.mulf %get3A_283, %mul3A_285 : vector<16xf32>
        %swap3A_287 = arith.index_cast %scan3A_267 : i32 to index
        %swap3A_288 = arith.constant 16 : index
        %swap3A_289 = tpu.vector_load %arg10[%swap3A_287, %swap3A_288] {strides = array<i32>} : memref<128x64xf32, #tpu.memory_space<vmem>>, vector<1x16xf32>,
        %swap3A_290 = vector.shape_cast %swap3A_289 : vector<1x16xf32> to vector<16xf32>
        %swap3A_291 = vector.shape_cast %mul3A_286 : vector<16xf32> to vector<1x16xf32>
        tpu.vector_store %arg10[%swap3A_287, %swap3A_288], %swap3A_291 {strides = array<i32>} : memref<128x64xf32, #tpu.memory_space<vmem>>, vector<1x16xf32>,
        %get3A_292 = arith.index_cast %scan3A_267 : i32 to index
        %get3A_293 = arith.constant 32 : index
        %get3A_294 = tpu.vector_load %arg8[%get3A_292, %get3A_293] {strides = array<i32>} : memref<128x128xf32, #tpu.memory_space<vmem>>, vector<1x16xf32>,
        %get3A_295 = vector.shape_cast %get3A_294 : vector<1x16xf32> to vector<16xf32>
        %mul3A_296 = arith.constant 8.000000e+00 : f32
        %mul3A_297 = vector.broadcast %mul3A_296 : f32 to vector<16xf32>
        %mul3A_298 = arith.mulf %get3A_295, %mul3A_297 : vector<16xf32>
        %swap3A_299 = arith.index_cast %scan3A_267 : i32 to index
        %swap3A_300 = arith.constant 32 : index
        %swap3A_301 = tpu.vector_load %arg10[%swap3A_299, %swap3A_300] {strides = array<i32>} : memref<128x64xf32, #tpu.memory_space<vmem>>, vector<1x16xf32>,
        %swap3A_302 = vector.shape_cast %swap3A_301 : vector<1x16xf32> to vector<16xf32>
        %swap3A_303 = vector.shape_cast %mul3A_298 : vector<16xf32> to vector<1x16xf32>
        tpu.vector_store %arg10[%swap3A_299, %swap3A_300], %swap3A_303 {strides = array<i32>} : memref<128x64xf32, #tpu.memory_space<vmem>>, vector<1x16xf32>,
        %get3A_304 = arith.index_cast %scan3A_267 : i32 to index
        %get3A_305 = arith.constant 48 : index
        %get3A_306 = tpu.vector_load %arg8[%get3A_304, %get3A_305] {strides = array<i32>} : memref<128x128xf32, #tpu.memory_space<vmem>>, vector<1x16xf32>,
        %get3A_307 = vector.shape_cast %get3A_306 : vector<1x16xf32> to vector<16xf32>
        %mul3A_308 = arith.constant 8.000000e+00 : f32
        %mul3A_309 = vector.broadcast %mul3A_308 : f32 to vector<16xf32>
        %mul3A_310 = arith.mulf %get3A_307, %mul3A_309 : vector<16xf32>
        %swap3A_311 = arith.index_cast %scan3A_267 : i32 to index
        %swap3A_312 = arith.constant 48 : index
        %swap3A_313 = tpu.vector_load %arg10[%swap3A_311, %swap3A_312] {strides = array<i32>} : memref<128x64xf32, #tpu.memory_space<vmem>>, vector<1x16xf32>,
        %swap3A_314 = vector.shape_cast %swap3A_313 : vector<1x16xf32> to vector<16xf32>
        %swap3A_315 = vector.shape_cast %mul3A_310 : vector<16xf32> to vector<1x16xf32>
        tpu.vector_store %arg10[%swap3A_311, %swap3A_312], %swap3A_315 {strides = array<i32>} : memref<128x64xf32, #tpu.memory_space<vmem>>, vector<1x16xf32>,
        %scan3A_316 = arith.constant 3 : i32
        %scan3A_317 = arith.addi %scan3A_169, %scan3A_316 : i32
        %get3A_318 = arith.index_cast %scan3A_317 : i32 to index
        %get3A_319 = arith.constant 0 : index
        %get3A_320 = tpu.vector_load %arg8[%get3A_318, %get3A_319] {strides = array<i32>} : memref<128x128xf32, #tpu.memory_space<vmem>>, vector<1x16xf32>,
        %get3A_321 = vector.shape_cast %get3A_320 : vector<1x16xf32> to vector<16xf32>
        %mul3A_322 = arith.constant 8.000000e+00 : f32
        %mul3A_323 = vector.broadcast %mul3A_322 : f32 to vector<16xf32>
        %mul3A_324 = arith.mulf %get3A_321, %mul3A_323 : vector<16xf32>
        %swap3A_325 = arith.index_cast %scan3A_317 : i32 to index
        %swap3A_326 = arith.constant 0 : index
        %swap3A_327 = tpu.vector_load %arg10[%swap3A_325, %swap3A_326] {strides = array<i32>} : memref<128x64xf32, #tpu.memory_space<vmem>>, vector<1x16xf32>,
        %swap3A_328 = vector.shape_cast %swap3A_327 : vector<1x16xf32> to vector<16xf32>
        %swap3A_329 = vector.shape_cast %mul3A_324 : vector<16xf32> to vector<1x16xf32>
        tpu.vector_store %arg10[%swap3A_325, %swap3A_326], %swap3A_329 {strides = array<i32>} : memref<128x64xf32, #tpu.memory_space<vmem>>, vector<1x16xf32>,
        %get3A_330 = arith.index_cast %scan3A_317 : i32 to index
        %get3A_331 = arith.constant 16 : index
        %get3A_332 = tpu.vector_load %arg8[%get3A_330, %get3A_331] {strides = array<i32>} : memref<128x128xf32, #tpu.memory_space<vmem>>, vector<1x16xf32>,
        %get3A_333 = vector.shape_cast %get3A_332 : vector<1x16xf32> to vector<16xf32>
        %mul3A_334 = arith.constant 8.000000e+00 : f32
        %mul3A_335 = vector.broadcast %mul3A_334 : f32 to vector<16xf32>
        %mul3A_336 = arith.mulf %get3A_333, %mul3A_335 : vector<16xf32>
        %swap3A_337 = arith.index_cast %scan3A_317 : i32 to index
        %swap3A_338 = arith.constant 16 : index
        %swap3A_339 = tpu.vector_load %arg10[%swap3A_337, %swap3A_338] {strides = array<i32>} : memref<128x64xf32, #tpu.memory_space<vmem>>, vector<1x16xf32>,
        %swap3A_340 = vector.shape_cast %swap3A_339 : vector<1x16xf32> to vector<16xf32>
        %swap3A_341 = vector.shape_cast %mul3A_336 : vector<16xf32> to vector<1x16xf32>
        tpu.vector_store %arg10[%swap3A_337, %swap3A_338], %swap3A_341 {strides = array<i32>} : memref<128x64xf32, #tpu.memory_space<vmem>>, vector<1x16xf32>,
        %get3A_342 = arith.index_cast %scan3A_317 : i32 to index
        %get3A_343 = arith.constant 32 : index
        %get3A_344 = tpu.vector_load %arg8[%get3A_342, %get3A_343] {strides = array<i32>} : memref<128x128xf32, #tpu.memory_space<vmem>>, vector<1x16xf32>,
        %get3A_345 = vector.shape_cast %get3A_344 : vector<1x16xf32> to vector<16xf32>
        %mul3A_346 = arith.constant 8.000000e+00 : f32
        %mul3A_347 = vector.broadcast %mul3A_346 : f32 to vector<16xf32>
        %mul3A_348 = arith.mulf %get3A_345, %mul3A_347 : vector<16xf32>
        %swap3A_349 = arith.index_cast %scan3A_317 : i32 to index
        %swap3A_350 = arith.constant 32 : index
        %swap3A_351 = tpu.vector_load %arg10[%swap3A_349, %swap3A_350] {strides = array<i32>} : memref<128x64xf32, #tpu.memory_space<vmem>>, vector<1x16xf32>,
        %swap3A_352 = vector.shape_cast %swap3A_351 : vector<1x16xf32> to vector<16xf32>
        %swap3A_353 = vector.shape_cast %mul3A_348 : vector<16xf32> to vector<1x16xf32>
        tpu.vector_store %arg10[%swap3A_349, %swap3A_350], %swap3A_353 {strides = array<i32>} : memref<128x64xf32, #tpu.memory_space<vmem>>, vector<1x16xf32>,
        %get3A_354 = arith.index_cast %scan3A_317 : i32 to index
        %get3A_355 = arith.constant 48 : index
        %get3A_356 = tpu.vector_load %arg8[%get3A_354, %get3A_355] {strides = array<i32>} : memref<128x128xf32, #tpu.memory_space<vmem>>, vector<1x16xf32>,
        %get3A_357 = vector.shape_cast %get3A_356 : vector<1x16xf32> to vector<16xf32>
        %mul3A_358 = arith.constant 8.000000e+00 : f32
        %mul3A_359 = vector.broadcast %mul3A_358 : f32 to vector<16xf32>
        %mul3A_360 = arith.mulf %get3A_357, %mul3A_359 : vector<16xf32>
        %swap3A_361 = arith.index_cast %scan3A_317 : i32 to index
        %swap3A_362 = arith.constant 48 : index
        %swap3A_363 = tpu.vector_load %arg10[%swap3A_361, %swap3A_362] {strides = array<i32>} : memref<128x64xf32, #tpu.memory_space<vmem>>, vector<1x16xf32>,
        %swap3A_364 = vector.shape_cast %swap3A_363 : vector<1x16xf32> to vector<16xf32>
        %swap3A_365 = vector.shape_cast %mul3A_360 : vector<16xf32> to vector<1x16xf32>
        tpu.vector_store %arg10[%swap3A_361, %swap3A_362], %swap3A_365 {strides = array<i32>} : memref<128x64xf32, #tpu.memory_space<vmem>>, vector<1x16xf32>,
      }
      %scan3A_126 = arith.constant 128 : i32
      %mul3A_127 = arith.constant 128 : i32
      %mul3A_128 = arith.muli %add3A_100, %mul3A_127 : i32
      %add3A_129 = arith.addi %mul3A_4, %mul3A_128 : i32
      %dma_start3A_130 = arith.constant 0 : i32
      %dma_start3A_131 = tpu.memref_slice %arg4[%add3A_129, %dma_start3A_130] : memref<819200x64xf32, #tpu.memory_space<hbm>> -> memref<128x64xf32, #tpu.memory_space<hbm>>
      %dma_start3A_132 = arith.constant 0 : i32
      %dma_start3A_133 = tpu.memref_slice %arg4[%add3A_129, %dma_start3A_132] : memref<819200x64xf32, #tpu.memory_space<hbm>> -> memref<128x64xf32, #tpu.memory_space<hbm>>
      tpu.enqueue_dma source(%arg10 : memref<128x64xf32, #tpu.memory_space<vmem>>) target(%dma_start3A_133 : memref<128x64xf32, #tpu.memory_space<hbm>>) target_semaphore(%arg16 : memref<!tpu.dma_semaphore, #tpu.memory_space<semaphore_mem>>)
      %add3A_134 = arith.constant 3 : i32
      %add3A_135 = arith.addi %mul3A_33, %add3A_134 : i32
      %add3A_136 = arith.constant 4 : i32
      %add3A_137 = arith.addi %add3A_135, %add3A_136 : i32
      %sub3A_138 = arith.constant 1 : i32
      %sub3A_139 = arith.subi %add3A_137, %sub3A_138 : i32
      %lt3A_140 = arith.constant 200 : i32
      %lt3A_141 = arith.cmpi slt, %sub3A_139, %lt3A_140 : i32
      %convert_element_type3A_142 = arith.extui %lt3A_141 : i1 to i32
      %cond3A_143 = arith.constant 0 : i32
      %cond3A_144 = arith.cmpi ne, %convert_element_type3A_142, %cond3A_143 : i32
      scf.if %cond3A_144 {
        %add3A_169 = arith.constant 4 : i32
        %add3A_170 = arith.addi %add3A_135, %add3A_169 : i32
        %sub3A_171 = arith.constant 1 : i32
        %sub3A_172 = arith.subi %add3A_170, %sub3A_171 : i32
        %mul3A_173 = arith.constant 128 : i32
        %mul3A_174 = arith.muli %sub3A_172, %mul3A_173 : i32
        %dma_start3A_175 = tpu.memref_slice %arg5[%mul3A_174] : memref<25600xi32, #tpu.memory_space<vmem>> -> memref<128xi32, #tpu.memory_space<vmem>>
        %dma_start3A_176 = arith.constant 0 : i32
        %dma_start3A_177 = arith.constant 0 : i32
        %dma_start3A_178 = tpu.memref_slice %arg3[%dma_start3A_176, %dma_start3A_177] : memref<1000000x128xf32, #tpu.memory_space<hbm>> -> memref<1000000x128xf32, #tpu.memory_space<hbm>>
        tpu.enqueue_indirect_dma source(%dma_start3A_178 : memref<1000000x128xf32, #tpu.memory_space<hbm>>) target(%arg8 : memref<128x128xf32, #tpu.memory_space<vmem>>) offsets(%dma_start3A_175 : memref<128xi32, #tpu.memory_space<vmem>>) semaphore(%arg14 : memref<!tpu.dma_semaphore, #tpu.memory_space<semaphore_mem>>)
      } else {
      }
      %mul3A_145 = arith.constant 128 : i32
      %mul3A_146 = arith.muli %add3A_135, %mul3A_145 : i32
      %dma_wait3A_147 = tpu.memref_slice %arg5[%mul3A_146] : memref<25600xi32, #tpu.memory_space<vmem>> -> memref<128xi32, #tpu.memory_space<vmem>>
      %dma_wait3A_148 = arith.constant 0 : i32
      %dma_wait3A_149 = arith.constant 0 : i32
      %dma_wait3A_150 = tpu.memref_slice %arg3[%dma_wait3A_148, %dma_wait3A_149] : memref<1000000x128xf32, #tpu.memory_space<hbm>> -> memref<1000000x128xf32, #tpu.memory_space<hbm>>
      tpu.wait_indirect_dma semaphore(%arg15 : memref<!tpu.dma_semaphore, #tpu.memory_space<semaphore_mem>>) src(%dma_wait3A_150 : memref<1000000x128xf32, #tpu.memory_space<hbm>>) dst(%arg9 : memref<128x128xf32, #tpu.memory_space<vmem>>)
      %ge3A_151 = arith.constant 2 : i32
      %ge3A_152 = arith.cmpi sge, %add3A_135, %ge3A_151 : i32
      %convert_element_type3A_153 = arith.extui %ge3A_152 : i1 to i32
      %cond3A_154 = arith.constant 0 : i32
      %cond3A_155 = arith.cmpi ne, %convert_element_type3A_153, %cond3A_154 : i32
      scf.if %cond3A_155 {
        %dma_wait3A_169 = arith.constant 0 : i32
        %dma_wait3A_170 = tpu.memref_slice %arg4[%mul3A_4, %dma_wait3A_169] : memref<819200x64xf32, #tpu.memory_space<hbm>> -> memref<128x64xf32, #tpu.memory_space<hbm>>
        %dma_wait3A_171 = arith.constant 0 : i32
        %dma_wait3A_172 = tpu.memref_slice %arg4[%mul3A_4, %dma_wait3A_171] : memref<819200x64xf32, #tpu.memory_space<hbm>> -> memref<128x64xf32, #tpu.memory_space<hbm>>
        tpu.wait_dma2 semaphore(%arg17 : memref<!tpu.dma_semaphore, #tpu.memory_space<semaphore_mem>>) src(%arg11 : memref<128x64xf32, #tpu.memory_space<vmem>>) dst(%dma_wait3A_172 : memref<128x64xf32, #tpu.memory_space<hbm>>)
      } else {
      }
      %scan3A_156 = arith.constant 0 : i32
      %scan3A_157 = arith.constant 0 : i32
      %scan3A_158 = arith.constant 128 : i32
      %scan3A_159 = arith.addi %scan3A_157, %scan3A_158 : i32
      %scan3A_160 = arith.constant 4 : i32
      scf.for %scan3A_169 = %scan3A_157 to %scan3A_159 step %scan3A_160  : i32 {
        %get3A = arith.index_cast %scan3A_169 : i32 to index
        %get3A_170 = arith.constant 0 : index
        %get3A_171 = tpu.vector_load %arg9[%get3A, %get3A_170] {strides = array<i32>} : memref<128x128xf32, #tpu.memory_space<vmem>>, vector<1x16xf32>,
        %get3A_172 = vector.shape_cast %get3A_171 : vector<1x16xf32> to vector<16xf32>
        %mul3A_173 = arith.constant 8.000000e+00 : f32
        %mul3A_174 = vector.broadcast %mul3A_173 : f32 to vector<16xf32>
        %mul3A_175 = arith.mulf %get3A_172, %mul3A_174 : vector<16xf32>
        %swap3A = arith.index_cast %scan3A_169 : i32 to index
        %swap3A_176 = arith.constant 0 : index
        %swap3A_177 = tpu.vector_load %arg11[%swap3A, %swap3A_176] {strides = array<i32>} : memref<128x64xf32, #tpu.memory_space<vmem>>, vector<1x16xf32>,
        %swap3A_178 = vector.shape_cast %swap3A_177 : vector<1x16xf32> to vector<16xf32>
        %swap3A_179 = vector.shape_cast %mul3A_175 : vector<16xf32> to vector<1x16xf32>
        tpu.vector_store %arg11[%swap3A, %swap3A_176], %swap3A_179 {strides = array<i32>} : memref<128x64xf32, #tpu.memory_space<vmem>>, vector<1x16xf32>,
        %get3A_180 = arith.index_cast %scan3A_169 : i32 to index
        %get3A_181 = arith.constant 16 : index
        %get3A_182 = tpu.vector_load %arg9[%get3A_180, %get3A_181] {strides = array<i32>} : memref<128x128xf32, #tpu.memory_space<vmem>>, vector<1x16xf32>,
        %get3A_183 = vector.shape_cast %get3A_182 : vector<1x16xf32> to vector<16xf32>
        %mul3A_184 = arith.constant 8.000000e+00 : f32
        %mul3A_185 = vector.broadcast %mul3A_184 : f32 to vector<16xf32>
        %mul3A_186 = arith.mulf %get3A_183, %mul3A_185 : vector<16xf32>
        %swap3A_187 = arith.index_cast %scan3A_169 : i32 to index
        %swap3A_188 = arith.constant 16 : index
        %swap3A_189 = tpu.vector_load %arg11[%swap3A_187, %swap3A_188] {strides = array<i32>} : memref<128x64xf32, #tpu.memory_space<vmem>>, vector<1x16xf32>,
        %swap3A_190 = vector.shape_cast %swap3A_189 : vector<1x16xf32> to vector<16xf32>
        %swap3A_191 = vector.shape_cast %mul3A_186 : vector<16xf32> to vector<1x16xf32>
        tpu.vector_store %arg11[%swap3A_187, %swap3A_188], %swap3A_191 {strides = array<i32>} : memref<128x64xf32, #tpu.memory_space<vmem>>, vector<1x16xf32>,
        %get3A_192 = arith.index_cast %scan3A_169 : i32 to index
        %get3A_193 = arith.constant 32 : index
        %get3A_194 = tpu.vector_load %arg9[%get3A_192, %get3A_193] {strides = array<i32>} : memref<128x128xf32, #tpu.memory_space<vmem>>, vector<1x16xf32>,
        %get3A_195 = vector.shape_cast %get3A_194 : vector<1x16xf32> to vector<16xf32>
        %mul3A_196 = arith.constant 8.000000e+00 : f32
        %mul3A_197 = vector.broadcast %mul3A_196 : f32 to vector<16xf32>
        %mul3A_198 = arith.mulf %get3A_195, %mul3A_197 : vector<16xf32>
        %swap3A_199 = arith.index_cast %scan3A_169 : i32 to index
        %swap3A_200 = arith.constant 32 : index
        %swap3A_201 = tpu.vector_load %arg11[%swap3A_199, %swap3A_200] {strides = array<i32>} : memref<128x64xf32, #tpu.memory_space<vmem>>, vector<1x16xf32>,
        %swap3A_202 = vector.shape_cast %swap3A_201 : vector<1x16xf32> to vector<16xf32>
        %swap3A_203 = vector.shape_cast %mul3A_198 : vector<16xf32> to vector<1x16xf32>
        tpu.vector_store %arg11[%swap3A_199, %swap3A_200], %swap3A_203 {strides = array<i32>} : memref<128x64xf32, #tpu.memory_space<vmem>>, vector<1x16xf32>,
        %get3A_204 = arith.index_cast %scan3A_169 : i32 to index
        %get3A_205 = arith.constant 48 : index
        %get3A_206 = tpu.vector_load %arg9[%get3A_204, %get3A_205] {strides = array<i32>} : memref<128x128xf32, #tpu.memory_space<vmem>>, vector<1x16xf32>,
        %get3A_207 = vector.shape_cast %get3A_206 : vector<1x16xf32> to vector<16xf32>
        %mul3A_208 = arith.constant 8.000000e+00 : f32
        %mul3A_209 = vector.broadcast %mul3A_208 : f32 to vector<16xf32>
        %mul3A_210 = arith.mulf %get3A_207, %mul3A_209 : vector<16xf32>
        %swap3A_211 = arith.index_cast %scan3A_169 : i32 to index
        %swap3A_212 = arith.constant 48 : index
        %swap3A_213 = tpu.vector_load %arg11[%swap3A_211, %swap3A_212] {strides = array<i32>} : memref<128x64xf32, #tpu.memory_space<vmem>>, vector<1x16xf32>,
        %swap3A_214 = vector.shape_cast %swap3A_213 : vector<1x16xf32> to vector<16xf32>
        %swap3A_215 = vector.shape_cast %mul3A_210 : vector<16xf32> to vector<1x16xf32>
        tpu.vector_store %arg11[%swap3A_211, %swap3A_212], %swap3A_215 {strides = array<i32>} : memref<128x64xf32, #tpu.memory_space<vmem>>, vector<1x16xf32>,
        %scan3A_216 = arith.constant 1 : i32
        %scan3A_217 = arith.addi %scan3A_169, %scan3A_216 : i32
        %get3A_218 = arith.index_cast %scan3A_217 : i32 to index
        %get3A_219 = arith.constant 0 : index
        %get3A_220 = tpu.vector_load %arg9[%get3A_218, %get3A_219] {strides = array<i32>} : memref<128x128xf32, #tpu.memory_space<vmem>>, vector<1x16xf32>,
        %get3A_221 = vector.shape_cast %get3A_220 : vector<1x16xf32> to vector<16xf32>
        %mul3A_222 = arith.constant 8.000000e+00 : f32
        %mul3A_223 = vector.broadcast %mul3A_222 : f32 to vector<16xf32>
        %mul3A_224 = arith.mulf %get3A_221, %mul3A_223 : vector<16xf32>
        %swap3A_225 = arith.index_cast %scan3A_217 : i32 to index
        %swap3A_226 = arith.constant 0 : index
        %swap3A_227 = tpu.vector_load %arg11[%swap3A_225, %swap3A_226] {strides = array<i32>} : memref<128x64xf32, #tpu.memory_space<vmem>>, vector<1x16xf32>,
        %swap3A_228 = vector.shape_cast %swap3A_227 : vector<1x16xf32> to vector<16xf32>
        %swap3A_229 = vector.shape_cast %mul3A_224 : vector<16xf32> to vector<1x16xf32>
        tpu.vector_store %arg11[%swap3A_225, %swap3A_226], %swap3A_229 {strides = array<i32>} : memref<128x64xf32, #tpu.memory_space<vmem>>, vector<1x16xf32>,
        %get3A_230 = arith.index_cast %scan3A_217 : i32 to index
        %get3A_231 = arith.constant 16 : index
        %get3A_232 = tpu.vector_load %arg9[%get3A_230, %get3A_231] {strides = array<i32>} : memref<128x128xf32, #tpu.memory_space<vmem>>, vector<1x16xf32>,
        %get3A_233 = vector.shape_cast %get3A_232 : vector<1x16xf32> to vector<16xf32>
        %mul3A_234 = arith.constant 8.000000e+00 : f32
        %mul3A_235 = vector.broadcast %mul3A_234 : f32 to vector<16xf32>
        %mul3A_236 = arith.mulf %get3A_233, %mul3A_235 : vector<16xf32>
        %swap3A_237 = arith.index_cast %scan3A_217 : i32 to index
        %swap3A_238 = arith.constant 16 : index
        %swap3A_239 = tpu.vector_load %arg11[%swap3A_237, %swap3A_238] {strides = array<i32>} : memref<128x64xf32, #tpu.memory_space<vmem>>, vector<1x16xf32>,
        %swap3A_240 = vector.shape_cast %swap3A_239 : vector<1x16xf32> to vector<16xf32>
        %swap3A_241 = vector.shape_cast %mul3A_236 : vector<16xf32> to vector<1x16xf32>
        tpu.vector_store %arg11[%swap3A_237, %swap3A_238], %swap3A_241 {strides = array<i32>} : memref<128x64xf32, #tpu.memory_space<vmem>>, vector<1x16xf32>,
        %get3A_242 = arith.index_cast %scan3A_217 : i32 to index
        %get3A_243 = arith.constant 32 : index
        %get3A_244 = tpu.vector_load %arg9[%get3A_242, %get3A_243] {strides = array<i32>} : memref<128x128xf32, #tpu.memory_space<vmem>>, vector<1x16xf32>,
        %get3A_245 = vector.shape_cast %get3A_244 : vector<1x16xf32> to vector<16xf32>
        %mul3A_246 = arith.constant 8.000000e+00 : f32
        %mul3A_247 = vector.broadcast %mul3A_246 : f32 to vector<16xf32>
        %mul3A_248 = arith.mulf %get3A_245, %mul3A_247 : vector<16xf32>
        %swap3A_249 = arith.index_cast %scan3A_217 : i32 to index
        %swap3A_250 = arith.constant 32 : index
        %swap3A_251 = tpu.vector_load %arg11[%swap3A_249, %swap3A_250] {strides = array<i32>} : memref<128x64xf32, #tpu.memory_space<vmem>>, vector<1x16xf32>,
        %swap3A_252 = vector.shape_cast %swap3A_251 : vector<1x16xf32> to vector<16xf32>
        %swap3A_253 = vector.shape_cast %mul3A_248 : vector<16xf32> to vector<1x16xf32>
        tpu.vector_store %arg11[%swap3A_249, %swap3A_250], %swap3A_253 {strides = array<i32>} : memref<128x64xf32, #tpu.memory_space<vmem>>, vector<1x16xf32>,
        %get3A_254 = arith.index_cast %scan3A_217 : i32 to index
        %get3A_255 = arith.constant 48 : index
        %get3A_256 = tpu.vector_load %arg9[%get3A_254, %get3A_255] {strides = array<i32>} : memref<128x128xf32, #tpu.memory_space<vmem>>, vector<1x16xf32>,
        %get3A_257 = vector.shape_cast %get3A_256 : vector<1x16xf32> to vector<16xf32>
        %mul3A_258 = arith.constant 8.000000e+00 : f32
        %mul3A_259 = vector.broadcast %mul3A_258 : f32 to vector<16xf32>
        %mul3A_260 = arith.mulf %get3A_257, %mul3A_259 : vector<16xf32>
        %swap3A_261 = arith.index_cast %scan3A_217 : i32 to index
        %swap3A_262 = arith.constant 48 : index
        %swap3A_263 = tpu.vector_load %arg11[%swap3A_261, %swap3A_262] {strides = array<i32>} : memref<128x64xf32, #tpu.memory_space<vmem>>, vector<1x16xf32>,
        %swap3A_264 = vector.shape_cast %swap3A_263 : vector<1x16xf32> to vector<16xf32>
        %swap3A_265 = vector.shape_cast %mul3A_260 : vector<16xf32> to vector<1x16xf32>
        tpu.vector_store %arg11[%swap3A_261, %swap3A_262], %swap3A_265 {strides = array<i32>} : memref<128x64xf32, #tpu.memory_space<vmem>>, vector<1x16xf32>,
        %scan3A_266 = arith.constant 2 : i32
        %scan3A_267 = arith.addi %scan3A_169, %scan3A_266 : i32
        %get3A_268 = arith.index_cast %scan3A_267 : i32 to index
        %get3A_269 = arith.constant 0 : index
        %get3A_270 = tpu.vector_load %arg9[%get3A_268, %get3A_269] {strides = array<i32>} : memref<128x128xf32, #tpu.memory_space<vmem>>, vector<1x16xf32>,
        %get3A_271 = vector.shape_cast %get3A_270 : vector<1x16xf32> to vector<16xf32>
        %mul3A_272 = arith.constant 8.000000e+00 : f32
        %mul3A_273 = vector.broadcast %mul3A_272 : f32 to vector<16xf32>
        %mul3A_274 = arith.mulf %get3A_271, %mul3A_273 : vector<16xf32>
        %swap3A_275 = arith.index_cast %scan3A_267 : i32 to index
        %swap3A_276 = arith.constant 0 : index
        %swap3A_277 = tpu.vector_load %arg11[%swap3A_275, %swap3A_276] {strides = array<i32>} : memref<128x64xf32, #tpu.memory_space<vmem>>, vector<1x16xf32>,
        %swap3A_278 = vector.shape_cast %swap3A_277 : vector<1x16xf32> to vector<16xf32>
        %swap3A_279 = vector.shape_cast %mul3A_274 : vector<16xf32> to vector<1x16xf32>
        tpu.vector_store %arg11[%swap3A_275, %swap3A_276], %swap3A_279 {strides = array<i32>} : memref<128x64xf32, #tpu.memory_space<vmem>>, vector<1x16xf32>,
        %get3A_280 = arith.index_cast %scan3A_267 : i32 to index
        %get3A_281 = arith.constant 16 : index
        %get3A_282 = tpu.vector_load %arg9[%get3A_280, %get3A_281] {strides = array<i32>} : memref<128x128xf32, #tpu.memory_space<vmem>>, vector<1x16xf32>,
        %get3A_283 = vector.shape_cast %get3A_282 : vector<1x16xf32> to vector<16xf32>
        %mul3A_284 = arith.constant 8.000000e+00 : f32
        %mul3A_285 = vector.broadcast %mul3A_284 : f32 to vector<16xf32>
        %mul3A_286 = arith.mulf %get3A_283, %mul3A_285 : vector<16xf32>
        %swap3A_287 = arith.index_cast %scan3A_267 : i32 to index
        %swap3A_288 = arith.constant 16 : index
        %swap3A_289 = tpu.vector_load %arg11[%swap3A_287, %swap3A_288] {strides = array<i32>} : memref<128x64xf32, #tpu.memory_space<vmem>>, vector<1x16xf32>,
        %swap3A_290 = vector.shape_cast %swap3A_289 : vector<1x16xf32> to vector<16xf32>
        %swap3A_291 = vector.shape_cast %mul3A_286 : vector<16xf32> to vector<1x16xf32>
        tpu.vector_store %arg11[%swap3A_287, %swap3A_288], %swap3A_291 {strides = array<i32>} : memref<128x64xf32, #tpu.memory_space<vmem>>, vector<1x16xf32>,
        %get3A_292 = arith.index_cast %scan3A_267 : i32 to index
        %get3A_293 = arith.constant 32 : index
        %get3A_294 = tpu.vector_load %arg9[%get3A_292, %get3A_293] {strides = array<i32>} : memref<128x128xf32, #tpu.memory_space<vmem>>, vector<1x16xf32>,
        %get3A_295 = vector.shape_cast %get3A_294 : vector<1x16xf32> to vector<16xf32>
        %mul3A_296 = arith.constant 8.000000e+00 : f32
        %mul3A_297 = vector.broadcast %mul3A_296 : f32 to vector<16xf32>
        %mul3A_298 = arith.mulf %get3A_295, %mul3A_297 : vector<16xf32>
        %swap3A_299 = arith.index_cast %scan3A_267 : i32 to index
        %swap3A_300 = arith.constant 32 : index
        %swap3A_301 = tpu.vector_load %arg11[%swap3A_299, %swap3A_300] {strides = array<i32>} : memref<128x64xf32, #tpu.memory_space<vmem>>, vector<1x16xf32>,
        %swap3A_302 = vector.shape_cast %swap3A_301 : vector<1x16xf32> to vector<16xf32>
        %swap3A_303 = vector.shape_cast %mul3A_298 : vector<16xf32> to vector<1x16xf32>
        tpu.vector_store %arg11[%swap3A_299, %swap3A_300], %swap3A_303 {strides = array<i32>} : memref<128x64xf32, #tpu.memory_space<vmem>>, vector<1x16xf32>,
        %get3A_304 = arith.index_cast %scan3A_267 : i32 to index
        %get3A_305 = arith.constant 48 : index
        %get3A_306 = tpu.vector_load %arg9[%get3A_304, %get3A_305] {strides = array<i32>} : memref<128x128xf32, #tpu.memory_space<vmem>>, vector<1x16xf32>,
        %get3A_307 = vector.shape_cast %get3A_306 : vector<1x16xf32> to vector<16xf32>
        %mul3A_308 = arith.constant 8.000000e+00 : f32
        %mul3A_309 = vector.broadcast %mul3A_308 : f32 to vector<16xf32>
        %mul3A_310 = arith.mulf %get3A_307, %mul3A_309 : vector<16xf32>
        %swap3A_311 = arith.index_cast %scan3A_267 : i32 to index
        %swap3A_312 = arith.constant 48 : index
        %swap3A_313 = tpu.vector_load %arg11[%swap3A_311, %swap3A_312] {strides = array<i32>} : memref<128x64xf32, #tpu.memory_space<vmem>>, vector<1x16xf32>,
        %swap3A_314 = vector.shape_cast %swap3A_313 : vector<1x16xf32> to vector<16xf32>
        %swap3A_315 = vector.shape_cast %mul3A_310 : vector<16xf32> to vector<1x16xf32>
        tpu.vector_store %arg11[%swap3A_311, %swap3A_312], %swap3A_315 {strides = array<i32>} : memref<128x64xf32, #tpu.memory_space<vmem>>, vector<1x16xf32>,
        %scan3A_316 = arith.constant 3 : i32
        %scan3A_317 = arith.addi %scan3A_169, %scan3A_316 : i32
        %get3A_318 = arith.index_cast %scan3A_317 : i32 to index
        %get3A_319 = arith.constant 0 : index
        %get3A_320 = tpu.vector_load %arg9[%get3A_318, %get3A_319] {strides = array<i32>} : memref<128x128xf32, #tpu.memory_space<vmem>>, vector<1x16xf32>,
        %get3A_321 = vector.shape_cast %get3A_320 : vector<1x16xf32> to vector<16xf32>
        %mul3A_322 = arith.constant 8.000000e+00 : f32
        %mul3A_323 = vector.broadcast %mul3A_322 : f32 to vector<16xf32>
        %mul3A_324 = arith.mulf %get3A_321, %mul3A_323 : vector<16xf32>
        %swap3A_325 = arith.index_cast %scan3A_317 : i32 to index
        %swap3A_326 = arith.constant 0 : index
        %swap3A_327 = tpu.vector_load %arg11[%swap3A_325, %swap3A_326] {strides = array<i32>} : memref<128x64xf32, #tpu.memory_space<vmem>>, vector<1x16xf32>,
        %swap3A_328 = vector.shape_cast %swap3A_327 : vector<1x16xf32> to vector<16xf32>
        %swap3A_329 = vector.shape_cast %mul3A_324 : vector<16xf32> to vector<1x16xf32>
        tpu.vector_store %arg11[%swap3A_325, %swap3A_326], %swap3A_329 {strides = array<i32>} : memref<128x64xf32, #tpu.memory_space<vmem>>, vector<1x16xf32>,
        %get3A_330 = arith.index_cast %scan3A_317 : i32 to index
        %get3A_331 = arith.constant 16 : index
        %get3A_332 = tpu.vector_load %arg9[%get3A_330, %get3A_331] {strides = array<i32>} : memref<128x128xf32, #tpu.memory_space<vmem>>, vector<1x16xf32>,
        %get3A_333 = vector.shape_cast %get3A_332 : vector<1x16xf32> to vector<16xf32>
        %mul3A_334 = arith.constant 8.000000e+00 : f32
        %mul3A_335 = vector.broadcast %mul3A_334 : f32 to vector<16xf32>
        %mul3A_336 = arith.mulf %get3A_333, %mul3A_335 : vector<16xf32>
        %swap3A_337 = arith.index_cast %scan3A_317 : i32 to index
        %swap3A_338 = arith.constant 16 : index
        %swap3A_339 = tpu.vector_load %arg11[%swap3A_337, %swap3A_338] {strides = array<i32>} : memref<128x64xf32, #tpu.memory_space<vmem>>, vector<1x16xf32>,
        %swap3A_340 = vector.shape_cast %swap3A_339 : vector<1x16xf32> to vector<16xf32>
        %swap3A_341 = vector.shape_cast %mul3A_336 : vector<16xf32> to vector<1x16xf32>
        tpu.vector_store %arg11[%swap3A_337, %swap3A_338], %swap3A_341 {strides = array<i32>} : memref<128x64xf32, #tpu.memory_space<vmem>>, vector<1x16xf32>,
        %get3A_342 = arith.index_cast %scan3A_317 : i32 to index
        %get3A_343 = arith.constant 32 : index
        %get3A_344 = tpu.vector_load %arg9[%get3A_342, %get3A_343] {strides = array<i32>} : memref<128x128xf32, #tpu.memory_space<vmem>>, vector<1x16xf32>,
        %get3A_345 = vector.shape_cast %get3A_344 : vector<1x16xf32> to vector<16xf32>
        %mul3A_346 = arith.constant 8.000000e+00 : f32
        %mul3A_347 = vector.broadcast %mul3A_346 : f32 to vector<16xf32>
        %mul3A_348 = arith.mulf %get3A_345, %mul3A_347 : vector<16xf32>
        %swap3A_349 = arith.index_cast %scan3A_317 : i32 to index
        %swap3A_350 = arith.constant 32 : index
        %swap3A_351 = tpu.vector_load %arg11[%swap3A_349, %swap3A_350] {strides = array<i32>} : memref<128x64xf32, #tpu.memory_space<vmem>>, vector<1x16xf32>,
        %swap3A_352 = vector.shape_cast %swap3A_351 : vector<1x16xf32> to vector<16xf32>
        %swap3A_353 = vector.shape_cast %mul3A_348 : vector<16xf32> to vector<1x16xf32>
        tpu.vector_store %arg11[%swap3A_349, %swap3A_350], %swap3A_353 {strides = array<i32>} : memref<128x64xf32, #tpu.memory_space<vmem>>, vector<1x16xf32>,
        %get3A_354 = arith.index_cast %scan3A_317 : i32 to index
        %get3A_355 = arith.constant 48 : index
        %get3A_356 = tpu.vector_load %arg9[%get3A_354, %get3A_355] {strides = array<i32>} : memref<128x128xf32, #tpu.memory_space<vmem>>, vector<1x16xf32>,
        %get3A_357 = vector.shape_cast %get3A_356 : vector<1x16xf32> to vector<16xf32>
        %mul3A_358 = arith.constant 8.000000e+00 : f32
        %mul3A_359 = vector.broadcast %mul3A_358 : f32 to vector<16xf32>
        %mul3A_360 = arith.mulf %get3A_357, %mul3A_359 : vector<16xf32>
        %swap3A_361 = arith.index_cast %scan3A_317 : i32 to index
        %swap3A_362 = arith.constant 48 : index
        %swap3A_363 = tpu.vector_load %arg11[%swap3A_361, %swap3A_362] {strides = array<i32>} : memref<128x64xf32, #tpu.memory_space<vmem>>, vector<1x16xf32>,
        %swap3A_364 = vector.shape_cast %swap3A_363 : vector<1x16xf32> to vector<16xf32>
        %swap3A_365 = vector.shape_cast %mul3A_360 : vector<16xf32> to vector<1x16xf32>
        tpu.vector_store %arg11[%swap3A_361, %swap3A_362], %swap3A_365 {strides = array<i32>} : memref<128x64xf32, #tpu.memory_space<vmem>>, vector<1x16xf32>,
      }
      %scan3A_161 = arith.constant 128 : i32
      %mul3A_162 = arith.constant 128 : i32
      %mul3A_163 = arith.muli %add3A_135, %mul3A_162 : i32
      %add3A_164 = arith.addi %mul3A_4, %mul3A_163 : i32
      %dma_start3A_165 = arith.constant 0 : i32
      %dma_start3A_166 = tpu.memref_slice %arg4[%add3A_164, %dma_start3A_165] : memref<819200x64xf32, #tpu.memory_space<hbm>> -> memref<128x64xf32, #tpu.memory_space<hbm>>
      %dma_start3A_167 = arith.constant 0 : i32
      %dma_start3A_168 = tpu.memref_slice %arg4[%add3A_164, %dma_start3A_167] : memref<819200x64xf32, #tpu.memory_space<hbm>> -> memref<128x64xf32, #tpu.memory_space<hbm>>
      tpu.enqueue_dma source(%arg11 : memref<128x64xf32, #tpu.memory_space<vmem>>) target(%dma_start3A_168 : memref<128x64xf32, #tpu.memory_space<hbm>>) target_semaphore(%arg17 : memref<!tpu.dma_semaphore, #tpu.memory_space<semaphore_mem>>)
    }
    %scan3A_23 = arith.constant 50 : i32
    %dma_wait3A = arith.constant 0 : i32
    %dma_wait3A_24 = tpu.memref_slice %arg4[%mul3A_4, %dma_wait3A] : memref<819200x64xf32, #tpu.memory_space<hbm>> -> memref<128x64xf32, #tpu.memory_space<hbm>>
    %dma_wait3A_25 = arith.constant 0 : i32
    %dma_wait3A_26 = tpu.memref_slice %arg4[%mul3A_4, %dma_wait3A_25] : memref<819200x64xf32, #tpu.memory_space<hbm>> -> memref<128x64xf32, #tpu.memory_space<hbm>>
    tpu.wait_dma2 semaphore(%arg16 : memref<!tpu.dma_semaphore, #tpu.memory_space<semaphore_mem>>) src(%arg10 : memref<128x64xf32, #tpu.memory_space<vmem>>) dst(%dma_wait3A_26 : memref<128x64xf32, #tpu.memory_space<hbm>>)
    %dma_wait3A_27 = arith.constant 0 : i32
    %dma_wait3A_28 = tpu.memref_slice %arg4[%mul3A_4, %dma_wait3A_27] : memref<819200x64xf32, #tpu.memory_space<hbm>> -> memref<128x64xf32, #tpu.memory_space<hbm>>
    %dma_wait3A_29 = arith.constant 0 : i32
    %dma_wait3A_30 = tpu.memref_slice %arg4[%mul3A_4, %dma_wait3A_29] : memref<819200x64xf32, #tpu.memory_space<hbm>> -> memref<128x64xf32, #tpu.memory_space<hbm>>
    tpu.wait_dma2 semaphore(%arg17 : memref<!tpu.dma_semaphore, #tpu.memory_space<semaphore_mem>>) src(%arg11 : memref<128x64xf32, #tpu.memory_space<vmem>>) dst(%dma_wait3A_30 : memref<128x64xf32, #tpu.memory_space<hbm>>)
    return
  }
}

</mosaic_0001>

<sc_bundles>
// kernel: kernel.3.cloned.1.call-start
scs
__scs_entry_jumppad:
0x0: {  	(pc) =	sbr.rel $0x88, $3  }
0x1: {  	(tag) =	ssettag $0x0;
	lr =	simm.s32 $0x1  }
0x2: {  	[smem:$0x3F9F] =	sst lr;
	_ =	strace $0xD0000000  }
0x3: {  	_ = 	snop  }
0x4: {  	_ = 	snop  }
0x5: {  	_ = 	snop  }
0x6: {  	_ = 	snop  }
0x7: {  	_ = 	snop  }
__scs_overlays_trampoline_lowered:
0x8: {  	[smem:$0x3FAE] =	sst s0  }
0x9: {  	[smem:$0x3FAF] =	sst s1  }
0xa: {  	[smem:$0x3FB0] =	sst s2  }
0xb: {  	[smem:$0x3FB1] =	sst s3  }
0xc: {  	[smem:$0x3FB2] =	sst s4  }
0xd: {  	[smem:$0x3FB3] =	sst s5  }
0xe: {  	[smem:$0x3FB4] =	sst s6  }
0xf: {  	[smem:$0x3FB5] =	sst s7  }
0x10: {  	[smem:$0x3FB6] =	sst s8  }
0x11: {  	[smem:$0x3FB7] =	sst s9;
	s0 =	simm.s32 @!p0 $0x0  }
0x12: {  	s1 =	sld [smem:$0x3F9D];
	s0 =	simm.s32 @p0 $0x1  }
0x13: {  	[smem:$0x3FB8] =	sst s0;
	s0 =	simm.s32 @!p1 $0x0  }
0x14: {  	s2 =	sld [smem:$0x3F9C];
	s0 =	simm.s32 @p1 $0x1  }
0x15: {  	[smem:$0x3FB9] =	sst s0;
	s0 =	simm.s32 @!p2 $0x0  }
0x16: {  	s3 =	sld [smem:$0x3FDB];
	s0 =	simm.s32 @p2 $0x1  }
0x17: {  	s4 =	simm.s32 $0x1BF5;
	[smem:$0x3FBB] =	sst s0  }
0x18: {  	s0 =	sld [smem:$0x3F9E];
	_ =	swait.ge [sflag:s4], $0x0  }
0x19: {  	s7 =	sld [smem:$0x3F9F]  }
0x1a: {  	s8 =	sadd.s32 $0xFFFFE003, lr  }
0x1b: {  	s9 =	sadd.s32 $0xFFFFFEF7, lr;
	s5 =	simm.s32 $0xFFFFFFFF;
	p2 =	slt.u32 s8, $0xFFFFF086  }
0x1c: {  	p1 =	slt.u32 s9, $0xF7A;
	s5 =	simm.s32 @!p2 $0x0  }
0x1d: {  	s5 =	simm.s32 @p1 $0x1;
	p0 =	seq.s32 s7, s2  }
0x1e: {  	s7 =	smul.u32 @!p0 $0xF7A, s2;
	p2 =	seq.s32 @!p0 s5, $0x0  }
0x1f: {  	s9 =	smul.u32 $0xF7A, s1;
	s8 =	simm.s32 @!p0 $0x1BF5;
	p2 =	por !p2, p0  }
0x20: {  	[sflag:s8] =	ssyncset.s32 @!p0 $0xFFFFF086;
	s6 =	sadd.s32 @!p0 s3, s7;
	s7 =	simm.s32 @!p0 $0x108  }
0x21: {  	s3 =	sadd.s32 s3, s9;
	s6 =	sadd.s32 @!p0 $0x88, s6;
	s7 =	simm.s32 @p2 $0x1082  }
0x22: {  	[simem:s7], [sflag:s8] =	dma.local @!p0 [hbm:s6], $0xF7A  }
0x23: {  	s9 =	sor.u32 $0xD0000000, s2;
	s6 =	simm.s32 $0x108;
	_ =	swait.ge @!p0 [sflag:s8], $0x0  }
0x24: {  	s3 =	sadd.s32 $0x88, s3;
	s6 =	simm.s32 @!p1 $0x1082;
	[sflag:s4] =	ssyncset.s32 $0xFFFFF086  }
0x25: {  	[simem:s6], [sflag:s4] =	dma.local [hbm:s3], $0xF7A  }
0x26: {  	[smem:$0x3F9F] =	sst s1;
	(tag) =	ssettag s2;
	_ =	strace s9  }
0x27: {  	s1 =	sld [smem:$0x3FAF]  }
0x28: {  	s2 =	sld [smem:$0x3FB0]  }
0x29: {  	s4 =	sld [smem:$0x3FB2]  }
0x2a: {  	p0 =	seq.s32 s5, $0x0;
	s5 =	sld [smem:$0x3FB3]  }
0x2b: {  	s6 =	sld [smem:$0x3FB4]  }
0x2c: {  	s7 =	sld [smem:$0x3FB5]  }
0x2d: {  	s3 =	simm.s32 $0x108;
	s8 =	sld [smem:$0x3FB6]  }
0x2e: {  	s3 =	simm.s32 @!p0 $0x1082;
	s9 =	sld [smem:$0x3FB7]  }
0x2f: {  	lr =	sadd.s32 s0, s3;
	s0 =	sld [smem:$0x3FAE]  }
0x30: {  	s3 =	sld [smem:$0x3FB1]  }
0x31: {  	[smem:$0x3FBA] =	sst s10  }
0x32: {  	s10 =	sld [smem:$0x3FB8];
	_ =	sdelay $0x3  }
0x33: {  	p0 =	seq.s32 s10, $0x1;
	s10 =	sld [smem:$0x3FBA];
	_ =	sdelay $0x3  }
0x34: {  	[smem:$0x3FBA] =	sst s10  }
0x35: {  	s10 =	sld [smem:$0x3FB9];
	_ =	sdelay $0x3  }
0x36: {  	p1 =	seq.s32 s10, $0x1;
	s10 =	sld [smem:$0x3FBA];
	_ =	sdelay $0x3  }
0x37: {  	[smem:$0x3FBA] =	sst s10  }
0x38: {  	s10 =	sld [smem:$0x3FBB]  }
0x39: {  	_ = 	snop;
	(pc) =	sbr.ind lr, $3  }
0x3a: {  	_ = 	snop  }
0x3b: {  	_ = 	snop  }
0x3c: {  	p2 =	seq.s32 s10, $0x1;
	s10 =	sld [smem:$0x3FBA]  }
0x3d: {  	_ =	shalt  }
0x3e: {  	_ =	shalt  }
0x3f: {  	_ =	shalt  }
0x40: {  	_ =	shalt  }
0x41: {  	_ =	shalt  }
0x42: {  	_ =	shalt  }
0x43: {  	_ =	shalt  }
0x44: {  	_ =	shalt  }
0x45: {  	_ =	shalt  }
0x46: {  	_ =	shalt  }
0x47: {  	_ =	shalt  }
0x48: {  	_ =	shalt  }
0x49: {  	_ =	shalt  }
0x4a: {  	_ =	shalt  }
0x4b: {  	_ =	shalt  }
0x4c: {  	_ =	shalt  }
0x4d: {  	_ =	shalt  }
0x4e: {  	_ =	shalt  }
0x4f: {  	_ =	shalt  }
0x50: {  	_ =	shalt  }
0x51: {  	_ =	shalt  }
0x52: {  	_ =	shalt  }
0x53: {  	_ =	shalt  }
0x54: {  	_ =	shalt  }
0x55: {  	_ =	shalt  }
0x56: {  	_ =	shalt  }
0x57: {  	_ =	shalt  }
0x58: {  	_ =	shalt  }
0x59: {  	_ =	shalt  }
0x5a: {  	_ =	shalt  }
0x5b: {  	_ =	shalt  }
0x5c: {  	_ =	shalt  }
0x5d: {  	_ =	shalt  }
0x5e: {  	_ =	shalt  }
0x5f: {  	_ =	shalt  }
0x60: {  	_ =	shalt  }
0x61: {  	_ =	shalt  }
0x62: {  	_ =	shalt  }
0x63: {  	_ =	shalt  }
0x64: {  	_ =	shalt  }
0x65: {  	_ =	shalt  }
0x66: {  	_ =	shalt  }
0x67: {  	_ =	shalt  }
0x68: {  	_ =	shalt  }
0x69: {  	_ =	shalt  }
0x6a: {  	_ =	shalt  }
0x6b: {  	_ =	shalt  }
0x6c: {  	_ =	shalt  }
0x6d: {  	_ =	shalt  }
0x6e: {  	_ =	shalt  }
0x6f: {  	_ =	shalt  }
0x70: {  	_ =	shalt  }
0x71: {  	_ =	shalt  }
0x72: {  	_ =	shalt  }
0x73: {  	_ =	shalt  }
0x74: {  	_ =	shalt  }
0x75: {  	_ =	shalt  }
0x76: {  	_ =	shalt  }
0x77: {  	_ =	shalt  }
0x78: {  	_ =	shalt  }
0x79: {  	_ =	shalt  }
0x7a: {  	_ =	shalt  }
0x7b: {  	_ =	shalt  }
0x7c: {  	_ =	shalt  }
0x7d: {  	_ =	shalt  }
0x7e: {  	_ =	shalt  }
0x7f: {  	_ =	shalt  }
0x80: {  	_ =	shalt  }
0x81: {  	_ =	shalt  }
0x82: {  	_ =	shalt  }
0x83: {  	_ =	shalt  }
0x84: {  	_ =	shalt  }
0x85: {  	_ =	shalt  }
0x86: {  	_ =	shalt  }
0x87: {  	_ =	shalt  }
.Lfunc_end0:
.L_simem_size_0:
called_computation.1_lowered:
.L_overlay_start_0:
0x88: {  	s2 =	sld [smem:$0x3FD9]  }
0x89: {  	s3 =	sld [smem:$0x3FFE];
	_ =	sdelay $0x1  }
0x8a: {  	s1 =	srdreg.scid  }
0x8b: {  	s0 =	sand.u32 $0x1, s1  }
0x8c: {  	s17 =	sshll.u32 s0, $0xA;
	s2 =	sadd.s32 s3, s2  }
0x8d: {  	s2 =	sadd.s32 s2, s17  }
0x8e: {  	[smem:$0x3FC6] =	sst s2  }
0x8f: {  	_ = 	snop  }
0x90: {  	s2 =	sld [smem:$0x3FD0];
	(tm) =	ssettm $0x1  }
0x91: {  	s18 =	sld [smem:$0x3FFB];
	_ =	sdelay $0x3  }
0x92: {  	_ =	strace s18  }
0x93: {  	s3 =	sld [smem:$0x3FFC];
	_ =	sdelay $0x3  }
0x94: {  	_ =	strace s3  }
0x95: {  	s3 =	sld [smem:$0x3FFD];
	_ =	sdelay $0x3  }
0x96: {  	_ =	strace s3  }
0x97: {  	_ =	strace $0x8FFFFFFF  }
0x98: {  	s19 =	sld [smem:$0x3FDB];
	_ =	sdelay $0x1  }
0x99: {  	s4 =	simm.s32 $_scs_section_size  }
0x9a: {  	s5 =	simm.s32 $_size__tile_overlayer_lowered;
	s6 =	simm.s32 $_tile_overlayer_lowered  }
0x9b: {  	s22 =	simm.s32 $0x1BFF;
	s21 =	sshll.u32 s6, $0x1;
	s3 =	sadd.s32 s4, s19  }
0x9c: {  	s7 =	simm.s32 $0x0;
	s20 =	sshll.u32 s5, $0x1;
	s5 =	sadd.s32 s21, s3  }
0x9d: {  	[timem:s7], [sflag:s22] =	dma.local [hbm:s5], s20  }
0x9e: {  	_ =	swait.ge [sflag:s22], s20  }
0x9f: {  	s4 =	ssub.s32 $0x0, s20;
	[sflag:s22] =	ssyncset.done $0x0  }
0xa0: {  	[sflag:s22] =	ssyncadd.s32 s4;
	_ =	sdelay $0x1  }
0xa1: {  	s23 =	simm.s32 $0x1B8B  }
0xa2: {  	_ =	swait.ge [sflag:s23], $0x1  }
0xa3: {  	[sflag:s23] =	ssyncset.done $0x0  }
0xa4: {  	s25 =	simm.s32 $0x1B8E;
	s24 =	sld [smem:$0x3FFE];
	[sflag:s23] =	ssyncadd.s32 $0xFFFFFFFF  }
0xa5: {  	s26 =	simm.s32 $execute0_lowered;
	[smem:$0x3FD2] =	sst s25  }
0xa6: {  	s5 =	sshll.u32 s26, $0x1;
	_ =	strace $0x80000046;
	[dreg:$0x1] =	wrdreg $0xFFFFFFFF  }
0xa7: {  	s28 =	simm.s32 $_size_execute0_lowered;
	s3 =	sadd.s32 s3, s5;
	[dreg:$0x0] =	wrdreg $0x0  }
0xa8: {  	s5 =	sshll.u32 s28, $0x1;
	[dreg:$0x2] =	wrdreg s3  }
0xa9: {  	[dreg:$0x3] =	wrdreg s5  }
0xaa: {  	[dreg:$0x4] =	wrdreg $0xC0  }
0xab: {  	_ =	task [dreg:s7], $0x5FFFF  }
0xac: {  	[dreg:$0x1] =	wrdreg $0xFFFFFFFF  }
0xad: {  	[dreg:$0x0] =	wrdreg $0x60  }
0xae: {  	[dreg:$0x2] =	wrdreg s2  }
0xaf: {  	[dreg:$0x3] =	wrdreg s24  }
0xb0: {  	[dreg:$0x4] =	wrdreg $0x9  }
0xb1: {  	_ =	task.clear_ibuf [dreg:s7], $0x5FFFF;
	_ =	strace $0x90000046  }
0xb2: {  	s29 =	simm.s32 $0x9;
	_ =	strace $0x80000048  }
0xb3: {  	_ =	swait.ge [sflag:s29], $0x1  }
0xb4: {  	[sflag:s29] =	ssyncadd.s32 $0xFFFFFFFF  }
0xb5: {  	_ =	strace $0x90000048  }
0xb6: {  	_ =	sfence  }
0xb7: {  	s30 =	sld [smem:$0x0];
	_ =	sdelay $0x2  }
0xb8: {  	s31 =	sshll.u32 s1, $0xD;
	s1 =	sshrl.u32 s1, $0x2  }
0xb9: {  	s3 =	sand.u32 $0x4000, s31;
	s1 =	sadd.s32 s1, s30  }
0xba: {  	s0 =	sor.u32 s3, s0;
	s1 =	sshll.u32 s1, $0x11  }
0xbb: {  	s0 =	sor.u32 s1, s0  }
0xbc: {  	s0 =	sadd.s32 $0x8F2B, s0  }
0xbd: {  	[sflag:s0] =	ssyncadd.remote.s32 $0x1  }
0xbe: {  	_ =	sfence.sel $0xFFFF  }
0xbf: {  	[dreg:$0x0] =	wrdreg $0xFFFFFFFF;
	(pc) =	sbr.abs _section_cstart, $3  }
0xc0: {  	[dreg:$0x1] =	wrdreg $0xFFFFFFFF  }
0xc1: {  	_ =	task.clear_ibuf [dreg:s7], $0x2FFFF;
	_ =	strace $0x9FFFFFFF  }
0xc2: {  	(tm) =	ssettm $0x7FFFFFFF  }
0xc3: {  	_ =	shalt  }
tec
execute0_lowered:
.L_overlay_start_1:
0x0: {  	(tag) =	ssettag $0x1  }
0x1: {  	s0 =	rddreg [dreg:$0x0];
	s1 =	srdreg.scid  }
0x2: {  	s2 =	stileid.u32;
	s4 =	rddreg [dreg:$0x1];
	s10 =	simm.s32 $0x7  }
0x3: {  	s11 =	simm.s32 $0x80;
	s12 =	simm.s32 $0x6400;
	s13 =	simm.s32 $0xA400  }
0x4: {  	s14 =	simm.s32 $0x100;
	s15 =	simm.s32 $0xE400;
	s16 =	simm.s32 $0x12400  }
0x5: {  	s17 =	simm.s32 $0x1;
	s18 =	simm.s32 $0x16400;
	s19 =	simm.s32 $0x2  }
0x6: {  	s20 =	simm.s32 $0x6;
	s21 =	simm.s32 $0x1A400;
	s22 =	simm.s32 $0x3  }
0x7: {  	s23 =	simm.s32 $0x5;
	s24 =	simm.s32 $0x4;
	s25 =	simm.s32 $0x0  }
0x8: {  	s1 =	sand.u32 $0x1, s1;
	s3 =	sshll.u32 s2, $0x1;
	s2 =	simm.s32 $0x0  }
0x9: {  	s6 =	sor.u32 s1, s3;
	[smem:$0x7FF] =	sst s2;
	s1 =	ssub.s32 $0x2, s1  }
0xa: {  	s3 =	sadd.s32 $0xF42E00, s4;
	s4 =	sadd.s32 $0xA00, s4;
	s8 =	smul.u32 $0x6400, s6  }
0xb: {  	_ =	strace $0x80000047;
	s5 =	sshrl.u32 s1, $0x1;
	s6 =	smul.u32 $0x320000, s6  }
0xc: {  	s1 =	ssub.s32 s1, s5;
	s31 =	sshrl.u32 s8, $0x3;
	s7 =	sor.u32 $0x80, s8  }
0xd: {  	s8 =	sor.u32 $0x100, s8;
	s9 =	smax.u32 s1, $0x1;
	s5 =	sadd.s32 s0, s31  }
.LBB2_1:
0xe: {  	[tilespmem:s2], [sflag:$0x7] =	stream.linear.gather [hbm4b:s5+s2], $0x6400, $0x38;
	[tilespmem:$0x1E400] =	vst v63  }
0xf: {  	_ =	swait.ge [sflag:s10], $0x6400  }
0x10: {  	[sflag:s10] =	ssyncset.done $0x0  }
0x11: {  	[sflag:s10] =	ssyncadd.s32 $0xFFFF9C00  }
0x12: {  	[tilespmem:s12], [sflag:$0x1] =	stream.indirect.gather [hbm4b:s3+s11], $0x80, s2, s11, $0xb8;
	[tilespmem:$0x1E400] =	vst v63  }
0x13: {  	_ = 	snop  }
0x14: {  	[tilespmem:s13], [sflag:$0x2] =	stream.indirect.gather [hbm4b:s3+s11], $0x80, s11, s11, $0xb8;
	[tilespmem:$0x1E400] =	vst v63  }
0x15: {  	s26 =	simm.s32 $0x0  }
0x16: {  	[tilespmem:s15], [sflag:$0x3] =	stream.indirect.gather [hbm4b:s3+s11], $0x80, s14, s11, $0xb8;
	[tilespmem:$0x1E400] =	vst v63  }
.LBB2_2:
0x17: {  	s28 =	sshllo.u32 s26, $0x2  }
0x18: {  	s0 =	sshll.u32 s28, $0x7  }
0x19: {  	s0 =	sand.u32 $0x3FFFFF80, s0  }
0x1a: {  	[tilespmem:s16], [sflag:$0x4] =	stream.indirect.gather [hbm4b:s3+s11], $0x80, s0, s11, $0xb8;
	[tilespmem:$0x1E400] =	vst v63  }
0x1b: {  	_ =	swait.ge [sflag:s17], $0x4000  }
0x1c: {  	p0 =	seq.s32 s26, $0x0;
	[sflag:s17] =	ssyncset.done $0x0  }
0x1d: {  	s0 =	simm.s32 @!p0 $0x5;
	[sflag:s17] =	ssyncadd.s32 $0xFFFFC000  }
0x1e: {  	_ =	swait.ge @!p0 [sflag:s0], $0x4000  }
0x1f: {  	[sflag:s0] =	ssyncset.done @!p0 $0x0  }
0x20: {  	s31 =	simm.s32 $0x6500;
	[sflag:s0] =	ssyncadd.s32 @!p0 $0xFFFFC000  }
0x21: {  	v0 =	vld [tilespmem:s31+$0xFFFFFF00];
	_ =	sdelay $0x4  }
0x22: {  	v0 =	vmul.f32 $8.000000000e+00, v0  }
0x23: {  	s29 =	simm.s32 $0x16500  }
0x24: {  	[tilespmem:s29+$0xFFFFFF00] =	vst v0  }
0x25: {  	v0 =	vld [tilespmem:s31+$0xFFFFFF10];
	_ =	sdelay $0x4  }
0x26: {  	v0 =	vmul.f32 $8.000000000e+00, v0;
	_ =	sdelay $0x1  }
0x27: {  	[tilespmem:s29+$0xFFFFFF10] =	vst v0  }
0x28: {  	v0 =	vld [tilespmem:s31+$0xFFFFFF20];
	_ =	sdelay $0x4  }
0x29: {  	v0 =	vmul.f32 $8.000000000e+00, v0;
	_ =	sdelay $0x1  }
0x2a: {  	[tilespmem:s29+$0xFFFFFF20] =	vst v0  }
0x2b: {  	v0 =	vld [tilespmem:s31+$0xFFFFFF30];
	_ =	sdelay $0x4  }
0x2c: {  	v0 =	vmul.f32 $8.000000000e+00, v0;
	_ =	sdelay $0x1  }
0x2d: {  	[tilespmem:s29+$0xFFFFFF30] =	vst v0  }
0x2e: {  	v0 =	vld [tilespmem:s31+$0xFFFFFF80];
	_ =	sdelay $0x4  }
0x2f: {  	v0 =	vmul.f32 $8.000000000e+00, v0;
	_ =	sdelay $0x1  }
0x30: {  	[tilespmem:s29+$0xFFFFFF80] =	vst v0  }
0x31: {  	v0 =	vld [tilespmem:s31+$0xFFFFFF90];
	_ =	sdelay $0x4  }
0x32: {  	v0 =	vmul.f32 $8.000000000e+00, v0;
	_ =	sdelay $0x1  }
0x33: {  	[tilespmem:s29+$0xFFFFFF90] =	vst v0  }
0x34: {  	v0 =	vld [tilespmem:s31+$0xFFFFFFA0];
	_ =	sdelay $0x4  }
0x35: {  	v0 =	vmul.f32 $8.000000000e+00, v0;
	_ =	sdelay $0x1  }
0x36: {  	[tilespmem:s29+$0xFFFFFFA0] =	vst v0  }
0x37: {  	v0 =	vld [tilespmem:s31+$0xFFFFFFB0];
	_ =	sdelay $0x4  }
0x38: {  	v0 =	vmul.f32 $8.000000000e+00, v0;
	_ =	sdelay $0x1  }
0x39: {  	[tilespmem:s29+$0xFFFFFFB0] =	vst v0  }
0x3a: {  	v0 =	vld [tilespmem:s31+$0x0];
	_ =	sdelay $0x4  }
0x3b: {  	v0 =	vmul.f32 $8.000000000e+00, v0;
	_ =	sdelay $0x1  }
0x3c: {  	[tilespmem:s29+$0x0] =	vst v0  }
0x3d: {  	v0 =	vld [tilespmem:s31+$0x10];
	_ =	sdelay $0x4  }
0x3e: {  	v0 =	vmul.f32 $8.000000000e+00, v0;
	_ =	sdelay $0x1  }
0x3f: {  	[tilespmem:s29+$0x10] =	vst v0  }
0x40: {  	v0 =	vld [tilespmem:s31+$0x20];
	_ =	sdelay $0x4  }
0x41: {  	v0 =	vmul.f32 $8.000000000e+00, v0;
	_ =	sdelay $0x1  }
0x42: {  	[tilespmem:s29+$0x20] =	vst v0  }
0x43: {  	v0 =	vld [tilespmem:s31+$0x30];
	_ =	sdelay $0x4  }
0x44: {  	v0 =	vmul.f32 $8.000000000e+00, v0;
	_ =	sdelay $0x1  }
0x45: {  	[tilespmem:s29+$0x30] =	vst v0  }
0x46: {  	v0 =	vld [tilespmem:s31+$0x80];
	_ =	sdelay $0x4  }
0x47: {  	v0 =	vmul.f32 $8.000000000e+00, v0;
	_ =	sdelay $0x1  }
0x48: {  	[tilespmem:s29+$0x80] =	vst v0  }
0x49: {  	v0 =	vld [tilespmem:s31+$0x90];
	_ =	sdelay $0x4  }
0x4a: {  	v0 =	vmul.f32 $8.000000000e+00, v0;
	_ =	sdelay $0x1  }
0x4b: {  	[tilespmem:s29+$0x90] =	vst v0  }
0x4c: {  	v0 =	vld [tilespmem:s31+$0xA0];
	_ =	sdelay $0x4  }
0x4d: {  	v0 =	vmul.f32 $8.000000000e+00, v0;
	_ =	sdelay $0x1  }
0x4e: {  	[tilespmem:s29+$0xA0] =	vst v0  }
0x4f: {  	v0 =	vld [tilespmem:s31+$0xB0];
	_ =	sdelay $0x4  }
0x50: {  	v0 =	vmul.f32 $8.000000000e+00, v0;
	_ =	sdelay $0x1  }
0x51: {  	s30 =	simm.s32 $0x0;
	s1 =	simm.s32 $0x6700;
	[tilespmem:s29+$0xB0] =	vst v0  }
.LBB2_3:
0x52: {  	v0 =	vld [tilespmem:s1+$0xFFFFFF00];
	s30 =	sadd.s32 $0x4, s30  }
0x53: {  	p1 =	slt.u32 s30, $0x7C;
	_ =	sdelay $0x3  }
0x54: {  	v0 =	vmul.f32 $8.000000000e+00, v0  }
0x55: {  	s29 =	sadd.s32 $0x200, s29  }
0x56: {  	[tilespmem:s29+$0xFFFFFF00] =	vst v0  }
0x57: {  	v0 =	vld [tilespmem:s1+$0xFFFFFF10];
	_ =	sdelay $0x4  }
0x58: {  	v0 =	vmul.f32 $8.000000000e+00, v0;
	_ =	sdelay $0x1  }
0x59: {  	[tilespmem:s29+$0xFFFFFF10] =	vst v0  }
0x5a: {  	v0 =	vld [tilespmem:s1+$0xFFFFFF20];
	_ =	sdelay $0x4  }
0x5b: {  	v0 =	vmul.f32 $8.000000000e+00, v0;
	_ =	sdelay $0x1  }
0x5c: {  	[tilespmem:s29+$0xFFFFFF20] =	vst v0  }
0x5d: {  	v0 =	vld [tilespmem:s1+$0xFFFFFF30];
	_ =	sdelay $0x4  }
0x5e: {  	v0 =	vmul.f32 $8.000000000e+00, v0;
	_ =	sdelay $0x1  }
0x5f: {  	[tilespmem:s29+$0xFFFFFF30] =	vst v0  }
0x60: {  	v0 =	vld [tilespmem:s1+$0xFFFFFF80];
	_ =	sdelay $0x4  }
0x61: {  	v0 =	vmul.f32 $8.000000000e+00, v0;
	_ =	sdelay $0x1  }
0x62: {  	[tilespmem:s29+$0xFFFFFF80] =	vst v0  }
0x63: {  	v0 =	vld [tilespmem:s1+$0xFFFFFF90];
	_ =	sdelay $0x4  }
0x64: {  	v0 =	vmul.f32 $8.000000000e+00, v0;
	_ =	sdelay $0x1  }
0x65: {  	[tilespmem:s29+$0xFFFFFF90] =	vst v0  }
0x66: {  	v0 =	vld [tilespmem:s1+$0xFFFFFFA0];
	_ =	sdelay $0x4  }
0x67: {  	v0 =	vmul.f32 $8.000000000e+00, v0;
	_ =	sdelay $0x1  }
0x68: {  	[tilespmem:s29+$0xFFFFFFA0] =	vst v0  }
0x69: {  	v0 =	vld [tilespmem:s1+$0xFFFFFFB0];
	_ =	sdelay $0x4  }
0x6a: {  	v0 =	vmul.f32 $8.000000000e+00, v0;
	_ =	sdelay $0x1  }
0x6b: {  	[tilespmem:s29+$0xFFFFFFB0] =	vst v0  }
0x6c: {  	v0 =	vld [tilespmem:s1+$0x0];
	_ =	sdelay $0x4  }
0x6d: {  	v0 =	vmul.f32 $8.000000000e+00, v0;
	_ =	sdelay $0x1  }
0x6e: {  	[tilespmem:s29+$0x0] =	vst v0  }
0x6f: {  	v0 =	vld [tilespmem:s1+$0x10];
	_ =	sdelay $0x4  }
0x70: {  	v0 =	vmul.f32 $8.000000000e+00, v0;
	_ =	sdelay $0x1  }
0x71: {  	[tilespmem:s29+$0x10] =	vst v0  }
0x72: {  	v0 =	vld [tilespmem:s1+$0x20];
	_ =	sdelay $0x4  }
0x73: {  	v0 =	vmul.f32 $8.000000000e+00, v0;
	_ =	sdelay $0x1  }
0x74: {  	[tilespmem:s29+$0x20] =	vst v0  }
0x75: {  	v0 =	vld [tilespmem:s1+$0x30];
	_ =	sdelay $0x4  }
0x76: {  	v0 =	vmul.f32 $8.000000000e+00, v0;
	_ =	sdelay $0x1  }
0x77: {  	[tilespmem:s29+$0x30] =	vst v0  }
0x78: {  	v0 =	vld [tilespmem:s1+$0x80];
	_ =	sdelay $0x4  }
0x79: {  	v0 =	vmul.f32 $8.000000000e+00, v0;
	_ =	sdelay $0x1  }
0x7a: {  	[tilespmem:s29+$0x80] =	vst v0  }
0x7b: {  	v0 =	vld [tilespmem:s1+$0x90];
	_ =	sdelay $0x4  }
0x7c: {  	v0 =	vmul.f32 $8.000000000e+00, v0;
	_ =	sdelay $0x1  }
0x7d: {  	[tilespmem:s29+$0x90] =	vst v0  }
0x7e: {  	v0 =	vld [tilespmem:s1+$0xA0];
	_ =	sdelay $0x4  }
0x7f: {  	v0 =	vmul.f32 $8.000000000e+00, v0;
	_ =	sdelay $0x1  }
0x80: {  	[tilespmem:s29+$0xA0] =	vst v0  }
0x81: {  	v0 =	vld [tilespmem:s1+$0xB0];
	_ =	sdelay $0x2  }
.Ltmp0:
0x82: {  	(pc) =	sbr.rel @p1 .LBB2_3-.Ltmp0, $3  }
0x83: {  	_ = 	snop  }
0x84: {  	v0 =	vmul.f32 $8.000000000e+00, v0;
	_ =	sdelay $0x1  }
0x85: {  	s1 =	sadd.s32 $0x200, s1;
	[tilespmem:s29+$0xB0] =	vst v0  }
0x86: {  	p1 =	sne.s32 s26, $0x31  }
.Ltmp1:
0x87: {  	s0 =	sshll.u32 s26, $0x10;
	(pc) =	sbr.rel @p1 .LBB2_6-.Ltmp1, $4  }
0x88: {  	s0 =	sadd.s32 s6, s0  }
0x89: {  	s0 =	sshrl.u32 s0, $0x3  }
0x8a: {  	s0 =	sadd.s32 s4, s0  }
0x8b: {  	[hbm4b:s0+s2] =	stream.linear.scatter [tilespmem:s18], [sflag:$0x5], $0x4000, $0x38;
	[tilespmem:$0x1E400] =	vst v63  }
.Ltmp2:
0x8c: {  	(pc) =	sbr.rel .LBB2_7-.Ltmp2, $4  }
0x8d: {  	_ = 	snop  }
0x8e: {  	_ =	swait.ge [sflag:s19], $0x4000  }
0x8f: {  	[sflag:s19] =	ssyncset.done $0x0  }
0x90: {  	[sflag:s19] =	ssyncadd.s32 $0xFFFFC000  }
.LBB2_6:
0x91: {  	s0 =	sshll.u32 s26, $0x9  }
0x92: {  	s0 =	sand.u32 $0x3FFFFE00, s0  }
.Ltmp3:
0x93: {  	s0 =	sadd.s32 $0x200, s0;
	(pc) =	sbr.rel @p0 .LBB2_8-.Ltmp3, $4  }
0x94: {  	[tilespmem:s12], [sflag:$0x1] =	stream.indirect.gather [hbm4b:s3+s11], $0x80, s0, s11, $0xb8;
	[tilespmem:$0x1E400] =	vst v63  }
0x95: {  	_ =	swait.ge [sflag:s19], $0x4000  }
0x96: {  	[sflag:s19] =	ssyncset.done $0x0  }
0x97: {  	[sflag:s19] =	ssyncadd.s32 $0xFFFFC000  }
.LBB2_7:
0x98: {  	_ =	swait.ge [sflag:s20], $0x4000  }
0x99: {  	[sflag:s20] =	ssyncset.done $0x0  }
0x9a: {  	[sflag:s20] =	ssyncadd.s32 $0xFFFFC000  }
.LBB2_8:
0x9b: {  	s0 =	simm.s32 $0xA500  }
0x9c: {  	v0 =	vld [tilespmem:s0+$0xFFFFFF00];
	_ =	sdelay $0x4  }
0x9d: {  	v0 =	vmul.f32 $8.000000000e+00, v0  }
0x9e: {  	s29 =	simm.s32 $0x1A500  }
0x9f: {  	[tilespmem:s29+$0xFFFFFF00] =	vst v0  }
0xa0: {  	v0 =	vld [tilespmem:s0+$0xFFFFFF10];
	_ =	sdelay $0x4  }
0xa1: {  	v0 =	vmul.f32 $8.000000000e+00, v0;
	_ =	sdelay $0x1  }
0xa2: {  	[tilespmem:s29+$0xFFFFFF10] =	vst v0  }
0xa3: {  	v0 =	vld [tilespmem:s0+$0xFFFFFF20];
	_ =	sdelay $0x4  }
0xa4: {  	v0 =	vmul.f32 $8.000000000e+00, v0;
	_ =	sdelay $0x1  }
0xa5: {  	[tilespmem:s29+$0xFFFFFF20] =	vst v0  }
0xa6: {  	v0 =	vld [tilespmem:s0+$0xFFFFFF30];
	_ =	sdelay $0x4  }
0xa7: {  	v0 =	vmul.f32 $8.000000000e+00, v0;
	_ =	sdelay $0x1  }
0xa8: {  	[tilespmem:s29+$0xFFFFFF30] =	vst v0  }
0xa9: {  	v0 =	vld [tilespmem:s0+$0xFFFFFF80];
	_ =	sdelay $0x4  }
0xaa: {  	v0 =	vmul.f32 $8.000000000e+00, v0;
	_ =	sdelay $0x1  }
0xab: {  	[tilespmem:s29+$0xFFFFFF80] =	vst v0  }
0xac: {  	v0 =	vld [tilespmem:s0+$0xFFFFFF90];
	_ =	sdelay $0x4  }
0xad: {  	v0 =	vmul.f32 $8.000000000e+00, v0;
	_ =	sdelay $0x1  }
0xae: {  	[tilespmem:s29+$0xFFFFFF90] =	vst v0  }
0xaf: {  	v0 =	vld [tilespmem:s0+$0xFFFFFFA0];
	_ =	sdelay $0x4  }
0xb0: {  	v0 =	vmul.f32 $8.000000000e+00, v0;
	_ =	sdelay $0x1  }
0xb1: {  	[tilespmem:s29+$0xFFFFFFA0] =	vst v0  }
0xb2: {  	v0 =	vld [tilespmem:s0+$0xFFFFFFB0];
	_ =	sdelay $0x4  }
0xb3: {  	v0 =	vmul.f32 $8.000000000e+00, v0;
	_ =	sdelay $0x1  }
0xb4: {  	[tilespmem:s29+$0xFFFFFFB0] =	vst v0  }
0xb5: {  	v0 =	vld [tilespmem:s0+$0x0];
	_ =	sdelay $0x4  }
0xb6: {  	v0 =	vmul.f32 $8.000000000e+00, v0;
	_ =	sdelay $0x1  }
0xb7: {  	[tilespmem:s29+$0x0] =	vst v0  }
0xb8: {  	v0 =	vld [tilespmem:s0+$0x10];
	_ =	sdelay $0x4  }
0xb9: {  	v0 =	vmul.f32 $8.000000000e+00, v0;
	_ =	sdelay $0x1  }
0xba: {  	[tilespmem:s29+$0x10] =	vst v0  }
0xbb: {  	v0 =	vld [tilespmem:s0+$0x20];
	_ =	sdelay $0x4  }
0xbc: {  	v0 =	vmul.f32 $8.000000000e+00, v0;
	_ =	sdelay $0x1  }
0xbd: {  	[tilespmem:s29+$0x20] =	vst v0  }
0xbe: {  	v0 =	vld [tilespmem:s0+$0x30];
	_ =	sdelay $0x4  }
0xbf: {  	v0 =	vmul.f32 $8.000000000e+00, v0;
	_ =	sdelay $0x1  }
0xc0: {  	[tilespmem:s29+$0x30] =	vst v0  }
0xc1: {  	v0 =	vld [tilespmem:s0+$0x80];
	_ =	sdelay $0x4  }
0xc2: {  	v0 =	vmul.f32 $8.000000000e+00, v0;
	_ =	sdelay $0x1  }
0xc3: {  	[tilespmem:s29+$0x80] =	vst v0  }
0xc4: {  	v0 =	vld [tilespmem:s0+$0x90];
	_ =	sdelay $0x4  }
0xc5: {  	v0 =	vmul.f32 $8.000000000e+00, v0;
	_ =	sdelay $0x1  }
0xc6: {  	[tilespmem:s29+$0x90] =	vst v0  }
0xc7: {  	v0 =	vld [tilespmem:s0+$0xA0];
	_ =	sdelay $0x4  }
0xc8: {  	v0 =	vmul.f32 $8.000000000e+00, v0;
	_ =	sdelay $0x1  }
0xc9: {  	[tilespmem:s29+$0xA0] =	vst v0  }
0xca: {  	v0 =	vld [tilespmem:s0+$0xB0];
	_ =	sdelay $0x4  }
0xcb: {  	v0 =	vmul.f32 $8.000000000e+00, v0;
	_ =	sdelay $0x1  }
0xcc: {  	s30 =	simm.s32 $0x0;
	s1 =	simm.s32 $0xA700;
	[tilespmem:s29+$0xB0] =	vst v0  }
.LBB2_9:
0xcd: {  	v0 =	vld [tilespmem:s1+$0xFFFFFF00];
	s30 =	sadd.s32 $0x4, s30  }
0xce: {  	p0 =	slt.u32 s30, $0x7C;
	_ =	sdelay $0x3  }
0xcf: {  	v0 =	vmul.f32 $8.000000000e+00, v0  }
0xd0: {  	s29 =	sadd.s32 $0x200, s29  }
0xd1: {  	[tilespmem:s29+$0xFFFFFF00] =	vst v0  }
0xd2: {  	v0 =	vld [tilespmem:s1+$0xFFFFFF10];
	_ =	sdelay $0x4  }
0xd3: {  	v0 =	vmul.f32 $8.000000000e+00, v0;
	_ =	sdelay $0x1  }
0xd4: {  	[tilespmem:s29+$0xFFFFFF10] =	vst v0  }
0xd5: {  	v0 =	vld [tilespmem:s1+$0xFFFFFF20];
	_ =	sdelay $0x4  }
0xd6: {  	v0 =	vmul.f32 $8.000000000e+00, v0;
	_ =	sdelay $0x1  }
0xd7: {  	[tilespmem:s29+$0xFFFFFF20] =	vst v0  }
0xd8: {  	v0 =	vld [tilespmem:s1+$0xFFFFFF30];
	_ =	sdelay $0x4  }
0xd9: {  	v0 =	vmul.f32 $8.000000000e+00, v0;
	_ =	sdelay $0x1  }
0xda: {  	[tilespmem:s29+$0xFFFFFF30] =	vst v0  }
0xdb: {  	v0 =	vld [tilespmem:s1+$0xFFFFFF80];
	_ =	sdelay $0x4  }
0xdc: {  	v0 =	vmul.f32 $8.000000000e+00, v0;
	_ =	sdelay $0x1  }
0xdd: {  	[tilespmem:s29+$0xFFFFFF80] =	vst v0  }
0xde: {  	v0 =	vld [tilespmem:s1+$0xFFFFFF90];
	_ =	sdelay $0x4  }
0xdf: {  	v0 =	vmul.f32 $8.000000000e+00, v0;
	_ =	sdelay $0x1  }
0xe0: {  	[tilespmem:s29+$0xFFFFFF90] =	vst v0  }
0xe1: {  	v0 =	vld [tilespmem:s1+$0xFFFFFFA0];
	_ =	sdelay $0x4  }
0xe2: {  	v0 =	vmul.f32 $8.000000000e+00, v0;
	_ =	sdelay $0x1  }
0xe3: {  	[tilespmem:s29+$0xFFFFFFA0] =	vst v0  }
0xe4: {  	v0 =	vld [tilespmem:s1+$0xFFFFFFB0];
	_ =	sdelay $0x4  }
0xe5: {  	v0 =	vmul.f32 $8.000000000e+00, v0;
	_ =	sdelay $0x1  }
0xe6: {  	[tilespmem:s29+$0xFFFFFFB0] =	vst v0  }
0xe7: {  	v0 =	vld [tilespmem:s1+$0x0];
	_ =	sdelay $0x4  }
0xe8: {  	v0 =	vmul.f32 $8.000000000e+00, v0;
	_ =	sdelay $0x1  }
0xe9: {  	[tilespmem:s29+$0x0] =	vst v0  }
0xea: {  	v0 =	vld [tilespmem:s1+$0x10];
	_ =	sdelay $0x4  }
0xeb: {  	v0 =	vmul.f32 $8.000000000e+00, v0;
	_ =	sdelay $0x1  }
0xec: {  	[tilespmem:s29+$0x10] =	vst v0  }
0xed: {  	v0 =	vld [tilespmem:s1+$0x20];
	_ =	sdelay $0x4  }
0xee: {  	v0 =	vmul.f32 $8.000000000e+00, v0;
	_ =	sdelay $0x1  }
0xef: {  	[tilespmem:s29+$0x20] =	vst v0  }
0xf0: {  	v0 =	vld [tilespmem:s1+$0x30];
	_ =	sdelay $0x4  }
0xf1: {  	v0 =	vmul.f32 $8.000000000e+00, v0;
	_ =	sdelay $0x1  }
0xf2: {  	[tilespmem:s29+$0x30] =	vst v0  }
0xf3: {  	v0 =	vld [tilespmem:s1+$0x80];
	_ =	sdelay $0x4  }
0xf4: {  	v0 =	vmul.f32 $8.000000000e+00, v0;
	_ =	sdelay $0x1  }
0xf5: {  	[tilespmem:s29+$0x80] =	vst v0  }
0xf6: {  	v0 =	vld [tilespmem:s1+$0x90];
	_ =	sdelay $0x4  }
0xf7: {  	v0 =	vmul.f32 $8.000000000e+00, v0;
	_ =	sdelay $0x1  }
0xf8: {  	[tilespmem:s29+$0x90] =	vst v0  }
0xf9: {  	v0 =	vld [tilespmem:s1+$0xA0];
	_ =	sdelay $0x4  }
0xfa: {  	v0 =	vmul.f32 $8.000000000e+00, v0;
	_ =	sdelay $0x1  }
0xfb: {  	[tilespmem:s29+$0xA0] =	vst v0  }
0xfc: {  	v0 =	vld [tilespmem:s1+$0xB0];
	_ =	sdelay $0x2  }
.Ltmp4:
0xfd: {  	(pc) =	sbr.rel @p0 .LBB2_9-.Ltmp4, $3  }
0xfe: {  	_ = 	snop  }
0xff: {  	v0 =	vmul.f32 $8.000000000e+00, v0;
	_ =	sdelay $0x1  }
0x100: {  	s1 =	sadd.s32 $0x200, s1;
	[tilespmem:s29+$0xB0] =	vst v0  }
0x101: {  	s29 =	sshll.u32 s26, $0x9  }
0x102: {  	s0 =	sadd.s32 s29, s7  }
0x103: {  	s0 =	sshll.u32 s0, $0x4  }
0x104: {  	p0 =	seq.s32 s26, $0x31;
	s0 =	sadd.s32 s4, s0  }
0x105: {  	[hbm4b:s0+s2] =	stream.linear.scatter [tilespmem:s21], [sflag:$0x6], $0x4000, $0x38;
	[tilespmem:$0x1E400] =	vst v63  }
0x106: {  	s0 =	sshll.u32 @!p0 s26, $0x9  }
0x107: {  	s30 =	sand.u32 @!p0 $0x3FFFFE00, s0  }
0x108: {  	s1 =	simm.s32 @!p0 $0x80;
	s31 =	simm.s32 @!p0 $0xA400;
	s0 =	sadd.s32 @!p0 $0x280, s30  }
0x109: {  	[tilespmem:s31], [sflag:$0x2] =	stream.indirect.gather @!p0 [hbm4b:s3+s1], $0x80, s0, s1, $0xb8;
	[tilespmem:$0x1E400] =	vst v63  }
0x10a: {  	_ =	swait.ge [sflag:s22], $0x4000  }
0x10b: {  	[sflag:s22] =	ssyncset.done $0x0  }
0x10c: {  	[sflag:s22] =	ssyncadd.s32 $0xFFFFC000  }
0x10d: {  	_ =	swait.ge [sflag:s23], $0x4000  }
0x10e: {  	[sflag:s23] =	ssyncset.done $0x0  }
0x10f: {  	s1 =	simm.s32 $0xE500;
	[sflag:s23] =	ssyncadd.s32 $0xFFFFC000  }
0x110: {  	v0 =	vld [tilespmem:s1+$0xFFFFFF00];
	_ =	sdelay $0x4  }
0x111: {  	v0 =	vmul.f32 $8.000000000e+00, v0  }
0x112: {  	s31 =	simm.s32 $0x16500  }
0x113: {  	[tilespmem:s31+$0xFFFFFF00] =	vst v0  }
0x114: {  	v0 =	vld [tilespmem:s1+$0xFFFFFF10];
	_ =	sdelay $0x4  }
0x115: {  	v0 =	vmul.f32 $8.000000000e+00, v0;
	_ =	sdelay $0x1  }
0x116: {  	[tilespmem:s31+$0xFFFFFF10] =	vst v0  }
0x117: {  	v0 =	vld [tilespmem:s1+$0xFFFFFF20];
	_ =	sdelay $0x4  }
0x118: {  	v0 =	vmul.f32 $8.000000000e+00, v0;
	_ =	sdelay $0x1  }
0x119: {  	[tilespmem:s31+$0xFFFFFF20] =	vst v0  }
0x11a: {  	v0 =	vld [tilespmem:s1+$0xFFFFFF30];
	_ =	sdelay $0x4  }
0x11b: {  	v0 =	vmul.f32 $8.000000000e+00, v0;
	_ =	sdelay $0x1  }
0x11c: {  	[tilespmem:s31+$0xFFFFFF30] =	vst v0  }
0x11d: {  	v0 =	vld [tilespmem:s1+$0xFFFFFF80];
	_ =	sdelay $0x4  }
0x11e: {  	v0 =	vmul.f32 $8.000000000e+00, v0;
	_ =	sdelay $0x1  }
0x11f: {  	[tilespmem:s31+$0xFFFFFF80] =	vst v0  }
0x120: {  	v0 =	vld [tilespmem:s1+$0xFFFFFF90];
	_ =	sdelay $0x4  }
0x121: {  	v0 =	vmul.f32 $8.000000000e+00, v0;
	_ =	sdelay $0x1  }
0x122: {  	[tilespmem:s31+$0xFFFFFF90] =	vst v0  }
0x123: {  	v0 =	vld [tilespmem:s1+$0xFFFFFFA0];
	_ =	sdelay $0x4  }
0x124: {  	v0 =	vmul.f32 $8.000000000e+00, v0;
	_ =	sdelay $0x1  }
0x125: {  	[tilespmem:s31+$0xFFFFFFA0] =	vst v0  }
0x126: {  	v0 =	vld [tilespmem:s1+$0xFFFFFFB0];
	_ =	sdelay $0x4  }
0x127: {  	v0 =	vmul.f32 $8.000000000e+00, v0;
	_ =	sdelay $0x1  }
0x128: {  	[tilespmem:s31+$0xFFFFFFB0] =	vst v0  }
0x129: {  	v0 =	vld [tilespmem:s1+$0x0];
	_ =	sdelay $0x4  }
0x12a: {  	v0 =	vmul.f32 $8.000000000e+00, v0;
	_ =	sdelay $0x1  }
0x12b: {  	[tilespmem:s31+$0x0] =	vst v0  }
0x12c: {  	v0 =	vld [tilespmem:s1+$0x10];
	_ =	sdelay $0x4  }
0x12d: {  	v0 =	vmul.f32 $8.000000000e+00, v0;
	_ =	sdelay $0x1  }
0x12e: {  	[tilespmem:s31+$0x10] =	vst v0  }
0x12f: {  	v0 =	vld [tilespmem:s1+$0x20];
	_ =	sdelay $0x4  }
0x130: {  	v0 =	vmul.f32 $8.000000000e+00, v0;
	_ =	sdelay $0x1  }
0x131: {  	[tilespmem:s31+$0x20] =	vst v0  }
0x132: {  	v0 =	vld [tilespmem:s1+$0x30];
	_ =	sdelay $0x4  }
0x133: {  	v0 =	vmul.f32 $8.000000000e+00, v0;
	_ =	sdelay $0x1  }
0x134: {  	[tilespmem:s31+$0x30] =	vst v0  }
0x135: {  	v0 =	vld [tilespmem:s1+$0x80];
	_ =	sdelay $0x4  }
0x136: {  	v0 =	vmul.f32 $8.000000000e+00, v0;
	_ =	sdelay $0x1  }
0x137: {  	[tilespmem:s31+$0x80] =	vst v0  }
0x138: {  	v0 =	vld [tilespmem:s1+$0x90];
	_ =	sdelay $0x4  }
0x139: {  	v0 =	vmul.f32 $8.000000000e+00, v0;
	_ =	sdelay $0x1  }
0x13a: {  	[tilespmem:s31+$0x90] =	vst v0  }
0x13b: {  	v0 =	vld [tilespmem:s1+$0xA0];
	_ =	sdelay $0x4  }
0x13c: {  	v0 =	vmul.f32 $8.000000000e+00, v0;
	_ =	sdelay $0x1  }
0x13d: {  	[tilespmem:s31+$0xA0] =	vst v0  }
0x13e: {  	v0 =	vld [tilespmem:s1+$0xB0];
	_ =	sdelay $0x4  }
0x13f: {  	v0 =	vmul.f32 $8.000000000e+00, v0;
	_ =	sdelay $0x1  }
0x140: {  	s0 =	simm.s32 $0xE700;
	s1 =	simm.s32 $0x0;
	[tilespmem:s31+$0xB0] =	vst v0  }
.LBB2_11:
0x141: {  	v0 =	vld [tilespmem:s0+$0xFFFFFF00];
	s1 =	sadd.s32 $0x4, s1  }
0x142: {  	p1 =	slt.u32 s1, $0x7C;
	_ =	sdelay $0x3  }
0x143: {  	v0 =	vmul.f32 $8.000000000e+00, v0  }
0x144: {  	s31 =	sadd.s32 $0x200, s31  }
0x145: {  	[tilespmem:s31+$0xFFFFFF00] =	vst v0  }
0x146: {  	v0 =	vld [tilespmem:s0+$0xFFFFFF10];
	_ =	sdelay $0x4  }
0x147: {  	v0 =	vmul.f32 $8.000000000e+00, v0;
	_ =	sdelay $0x1  }
0x148: {  	[tilespmem:s31+$0xFFFFFF10] =	vst v0  }
0x149: {  	v0 =	vld [tilespmem:s0+$0xFFFFFF20];
	_ =	sdelay $0x4  }
0x14a: {  	v0 =	vmul.f32 $8.000000000e+00, v0;
	_ =	sdelay $0x1  }
0x14b: {  	[tilespmem:s31+$0xFFFFFF20] =	vst v0  }
0x14c: {  	v0 =	vld [tilespmem:s0+$0xFFFFFF30];
	_ =	sdelay $0x4  }
0x14d: {  	v0 =	vmul.f32 $8.000000000e+00, v0;
	_ =	sdelay $0x1  }
0x14e: {  	[tilespmem:s31+$0xFFFFFF30] =	vst v0  }
0x14f: {  	v0 =	vld [tilespmem:s0+$0xFFFFFF80];
	_ =	sdelay $0x4  }
0x150: {  	v0 =	vmul.f32 $8.000000000e+00, v0;
	_ =	sdelay $0x1  }
0x151: {  	[tilespmem:s31+$0xFFFFFF80] =	vst v0  }
0x152: {  	v0 =	vld [tilespmem:s0+$0xFFFFFF90];
	_ =	sdelay $0x4  }
0x153: {  	v0 =	vmul.f32 $8.000000000e+00, v0;
	_ =	sdelay $0x1  }
0x154: {  	[tilespmem:s31+$0xFFFFFF90] =	vst v0  }
0x155: {  	v0 =	vld [tilespmem:s0+$0xFFFFFFA0];
	_ =	sdelay $0x4  }
0x156: {  	v0 =	vmul.f32 $8.000000000e+00, v0;
	_ =	sdelay $0x1  }
0x157: {  	[tilespmem:s31+$0xFFFFFFA0] =	vst v0  }
0x158: {  	v0 =	vld [tilespmem:s0+$0xFFFFFFB0];
	_ =	sdelay $0x4  }
0x159: {  	v0 =	vmul.f32 $8.000000000e+00, v0;
	_ =	sdelay $0x1  }
0x15a: {  	[tilespmem:s31+$0xFFFFFFB0] =	vst v0  }
0x15b: {  	v0 =	vld [tilespmem:s0+$0x0];
	_ =	sdelay $0x4  }
0x15c: {  	v0 =	vmul.f32 $8.000000000e+00, v0;
	_ =	sdelay $0x1  }
0x15d: {  	[tilespmem:s31+$0x0] =	vst v0  }
0x15e: {  	v0 =	vld [tilespmem:s0+$0x10];
	_ =	sdelay $0x4  }
0x15f: {  	v0 =	vmul.f32 $8.000000000e+00, v0;
	_ =	sdelay $0x1  }
0x160: {  	[tilespmem:s31+$0x10] =	vst v0  }
0x161: {  	v0 =	vld [tilespmem:s0+$0x20];
	_ =	sdelay $0x4  }
0x162: {  	v0 =	vmul.f32 $8.000000000e+00, v0;
	_ =	sdelay $0x1  }
0x163: {  	[tilespmem:s31+$0x20] =	vst v0  }
0x164: {  	v0 =	vld [tilespmem:s0+$0x30];
	_ =	sdelay $0x4  }
0x165: {  	v0 =	vmul.f32 $8.000000000e+00, v0;
	_ =	sdelay $0x1  }
0x166: {  	[tilespmem:s31+$0x30] =	vst v0  }
0x167: {  	v0 =	vld [tilespmem:s0+$0x80];
	_ =	sdelay $0x4  }
0x168: {  	v0 =	vmul.f32 $8.000000000e+00, v0;
	_ =	sdelay $0x1  }
0x169: {  	[tilespmem:s31+$0x80] =	vst v0  }
0x16a: {  	v0 =	vld [tilespmem:s0+$0x90];
	_ =	sdelay $0x4  }
0x16b: {  	v0 =	vmul.f32 $8.000000000e+00, v0;
	_ =	sdelay $0x1  }
0x16c: {  	[tilespmem:s31+$0x90] =	vst v0  }
0x16d: {  	v0 =	vld [tilespmem:s0+$0xA0];
	_ =	sdelay $0x4  }
0x16e: {  	v0 =	vmul.f32 $8.000000000e+00, v0;
	_ =	sdelay $0x1  }
0x16f: {  	[tilespmem:s31+$0xA0] =	vst v0  }
0x170: {  	v0 =	vld [tilespmem:s0+$0xB0];
	_ =	sdelay $0x2  }
.Ltmp5:
0x171: {  	(pc) =	sbr.rel @p1 .LBB2_11-.Ltmp5, $3  }
0x172: {  	_ = 	snop  }
0x173: {  	v0 =	vmul.f32 $8.000000000e+00, v0;
	_ =	sdelay $0x1  }
0x174: {  	s0 =	sadd.s32 $0x200, s0;
	[tilespmem:s31+$0xB0] =	vst v0  }
0x175: {  	s0 =	sadd.s32 s29, s8  }
0x176: {  	s0 =	sshll.u32 s0, $0x4  }
0x177: {  	s0 =	sadd.s32 s4, s0  }
0x178: {  	[hbm4b:s0+s2] =	stream.linear.scatter [tilespmem:s18], [sflag:$0x5], $0x4000, $0x38;
	[tilespmem:$0x1E400] =	vst v63  }
0x179: {  	s1 =	simm.s32 @!p0 $0x80;
	s29 =	simm.s32 @!p0 $0xE400;
	s0 =	sadd.s32 @!p0 $0x300, s30  }
0x17a: {  	[tilespmem:s29], [sflag:$0x3] =	stream.indirect.gather @!p0 [hbm4b:s3+s1], $0x80, s0, s1, $0xb8;
	[tilespmem:$0x1E400] =	vst v63  }
0x17b: {  	_ =	swait.ge [sflag:s24], $0x4000  }
0x17c: {  	[sflag:s24] =	ssyncset.done $0x0  }
0x17d: {  	[sflag:s24] =	ssyncadd.s32 $0xFFFFC000  }
0x17e: {  	_ =	swait.ge [sflag:s20], $0x4000  }
0x17f: {  	[sflag:s20] =	ssyncset.done $0x0  }
0x180: {  	s31 =	simm.s32 $0x12500;
	[sflag:s20] =	ssyncadd.s32 $0xFFFFC000  }
0x181: {  	v0 =	vld [tilespmem:s31+$0xFFFFFF00];
	_ =	sdelay $0x4  }
0x182: {  	v0 =	vmul.f32 $8.000000000e+00, v0  }
0x183: {  	s29 =	simm.s32 $0x1A500  }
0x184: {  	[tilespmem:s29+$0xFFFFFF00] =	vst v0  }
0x185: {  	v0 =	vld [tilespmem:s31+$0xFFFFFF10];
	_ =	sdelay $0x4  }
0x186: {  	v0 =	vmul.f32 $8.000000000e+00, v0;
	_ =	sdelay $0x1  }
0x187: {  	[tilespmem:s29+$0xFFFFFF10] =	vst v0  }
0x188: {  	v0 =	vld [tilespmem:s31+$0xFFFFFF20];
	_ =	sdelay $0x4  }
0x189: {  	v0 =	vmul.f32 $8.000000000e+00, v0;
	_ =	sdelay $0x1  }
0x18a: {  	[tilespmem:s29+$0xFFFFFF20] =	vst v0  }
0x18b: {  	v0 =	vld [tilespmem:s31+$0xFFFFFF30];
	_ =	sdelay $0x4  }
0x18c: {  	v0 =	vmul.f32 $8.000000000e+00, v0;
	_ =	sdelay $0x1  }
0x18d: {  	[tilespmem:s29+$0xFFFFFF30] =	vst v0  }
0x18e: {  	v0 =	vld [tilespmem:s31+$0xFFFFFF80];
	_ =	sdelay $0x4  }
0x18f: {  	v0 =	vmul.f32 $8.000000000e+00, v0;
	_ =	sdelay $0x1  }
0x190: {  	[tilespmem:s29+$0xFFFFFF80] =	vst v0  }
0x191: {  	v0 =	vld [tilespmem:s31+$0xFFFFFF90];
	_ =	sdelay $0x4  }
0x192: {  	v0 =	vmul.f32 $8.000000000e+00, v0;
	_ =	sdelay $0x1  }
0x193: {  	[tilespmem:s29+$0xFFFFFF90] =	vst v0  }
0x194: {  	v0 =	vld [tilespmem:s31+$0xFFFFFFA0];
	_ =	sdelay $0x4  }
0x195: {  	v0 =	vmul.f32 $8.000000000e+00, v0;
	_ =	sdelay $0x1  }
0x196: {  	[tilespmem:s29+$0xFFFFFFA0] =	vst v0  }
0x197: {  	v0 =	vld [tilespmem:s31+$0xFFFFFFB0];
	_ =	sdelay $0x4  }
0x198: {  	v0 =	vmul.f32 $8.000000000e+00, v0;
	_ =	sdelay $0x1  }
0x199: {  	[tilespmem:s29+$0xFFFFFFB0] =	vst v0  }
0x19a: {  	v0 =	vld [tilespmem:s31+$0x0];
	_ =	sdelay $0x4  }
0x19b: {  	v0 =	vmul.f32 $8.000000000e+00, v0;
	_ =	sdelay $0x1  }
0x19c: {  	[tilespmem:s29+$0x0] =	vst v0  }
0x19d: {  	v0 =	vld [tilespmem:s31+$0x10];
	_ =	sdelay $0x4  }
0x19e: {  	v0 =	vmul.f32 $8.000000000e+00, v0;
	_ =	sdelay $0x1  }
0x19f: {  	[tilespmem:s29+$0x10] =	vst v0  }
0x1a0: {  	v0 =	vld [tilespmem:s31+$0x20];
	_ =	sdelay $0x4  }
0x1a1: {  	v0 =	vmul.f32 $8.000000000e+00, v0;
	_ =	sdelay $0x1  }
0x1a2: {  	[tilespmem:s29+$0x20] =	vst v0  }
0x1a3: {  	v0 =	vld [tilespmem:s31+$0x30];
	_ =	sdelay $0x4  }
0x1a4: {  	v0 =	vmul.f32 $8.000000000e+00, v0;
	_ =	sdelay $0x1  }
0x1a5: {  	[tilespmem:s29+$0x30] =	vst v0  }
0x1a6: {  	v0 =	vld [tilespmem:s31+$0x80];
	_ =	sdelay $0x4  }
0x1a7: {  	v0 =	vmul.f32 $8.000000000e+00, v0;
	_ =	sdelay $0x1  }
0x1a8: {  	[tilespmem:s29+$0x80] =	vst v0  }
0x1a9: {  	v0 =	vld [tilespmem:s31+$0x90];
	_ =	sdelay $0x4  }
0x1aa: {  	v0 =	vmul.f32 $8.000000000e+00, v0;
	_ =	sdelay $0x1  }
0x1ab: {  	[tilespmem:s29+$0x90] =	vst v0  }
0x1ac: {  	v0 =	vld [tilespmem:s31+$0xA0];
	_ =	sdelay $0x4  }
0x1ad: {  	v0 =	vmul.f32 $8.000000000e+00, v0;
	_ =	sdelay $0x1  }
0x1ae: {  	[tilespmem:s29+$0xA0] =	vst v0  }
0x1af: {  	v0 =	vld [tilespmem:s31+$0xB0];
	_ =	sdelay $0x4  }
0x1b0: {  	v0 =	vmul.f32 $8.000000000e+00, v0;
	_ =	sdelay $0x1  }
0x1b1: {  	s1 =	simm.s32 $0x0;
	s0 =	simm.s32 $0x12700;
	[tilespmem:s29+$0xB0] =	vst v0  }
.LBB2_13:
0x1b2: {  	v0 =	vld [tilespmem:s0+$0xFFFFFF00];
	s1 =	sadd.s32 $0x4, s1  }
0x1b3: {  	p0 =	slt.u32 s1, $0x7C;
	_ =	sdelay $0x3  }
0x1b4: {  	v0 =	vmul.f32 $8.000000000e+00, v0  }
0x1b5: {  	s29 =	sadd.s32 $0x200, s29  }
0x1b6: {  	[tilespmem:s29+$0xFFFFFF00] =	vst v0  }
0x1b7: {  	v0 =	vld [tilespmem:s0+$0xFFFFFF10];
	_ =	sdelay $0x4  }
0x1b8: {  	v0 =	vmul.f32 $8.000000000e+00, v0;
	_ =	sdelay $0x1  }
0x1b9: {  	[tilespmem:s29+$0xFFFFFF10] =	vst v0  }
0x1ba: {  	v0 =	vld [tilespmem:s0+$0xFFFFFF20];
	_ =	sdelay $0x4  }
0x1bb: {  	v0 =	vmul.f32 $8.000000000e+00, v0;
	_ =	sdelay $0x1  }
0x1bc: {  	[tilespmem:s29+$0xFFFFFF20] =	vst v0  }
0x1bd: {  	v0 =	vld [tilespmem:s0+$0xFFFFFF30];
	_ =	sdelay $0x4  }
0x1be: {  	v0 =	vmul.f32 $8.000000000e+00, v0;
	_ =	sdelay $0x1  }
0x1bf: {  	[tilespmem:s29+$0xFFFFFF30] =	vst v0  }
0x1c0: {  	v0 =	vld [tilespmem:s0+$0xFFFFFF80];
	_ =	sdelay $0x4  }
0x1c1: {  	v0 =	vmul.f32 $8.000000000e+00, v0;
	_ =	sdelay $0x1  }
0x1c2: {  	[tilespmem:s29+$0xFFFFFF80] =	vst v0  }
0x1c3: {  	v0 =	vld [tilespmem:s0+$0xFFFFFF90];
	_ =	sdelay $0x4  }
0x1c4: {  	v0 =	vmul.f32 $8.000000000e+00, v0;
	_ =	sdelay $0x1  }
0x1c5: {  	[tilespmem:s29+$0xFFFFFF90] =	vst v0  }
0x1c6: {  	v0 =	vld [tilespmem:s0+$0xFFFFFFA0];
	_ =	sdelay $0x4  }
0x1c7: {  	v0 =	vmul.f32 $8.000000000e+00, v0;
	_ =	sdelay $0x1  }
0x1c8: {  	[tilespmem:s29+$0xFFFFFFA0] =	vst v0  }
0x1c9: {  	v0 =	vld [tilespmem:s0+$0xFFFFFFB0];
	_ =	sdelay $0x4  }
0x1ca: {  	v0 =	vmul.f32 $8.000000000e+00, v0;
	_ =	sdelay $0x1  }
0x1cb: {  	[tilespmem:s29+$0xFFFFFFB0] =	vst v0  }
0x1cc: {  	v0 =	vld [tilespmem:s0+$0x0];
	_ =	sdelay $0x4  }
0x1cd: {  	v0 =	vmul.f32 $8.000000000e+00, v0;
	_ =	sdelay $0x1  }
0x1ce: {  	[tilespmem:s29+$0x0] =	vst v0  }
0x1cf: {  	v0 =	vld [tilespmem:s0+$0x10];
	_ =	sdelay $0x4  }
0x1d0: {  	v0 =	vmul.f32 $8.000000000e+00, v0;
	_ =	sdelay $0x1  }
0x1d1: {  	[tilespmem:s29+$0x10] =	vst v0  }
0x1d2: {  	v0 =	vld [tilespmem:s0+$0x20];
	_ =	sdelay $0x4  }
0x1d3: {  	v0 =	vmul.f32 $8.000000000e+00, v0;
	_ =	sdelay $0x1  }
0x1d4: {  	[tilespmem:s29+$0x20] =	vst v0  }
0x1d5: {  	v0 =	vld [tilespmem:s0+$0x30];
	_ =	sdelay $0x4  }
0x1d6: {  	v0 =	vmul.f32 $8.000000000e+00, v0;
	_ =	sdelay $0x1  }
0x1d7: {  	[tilespmem:s29+$0x30] =	vst v0  }
0x1d8: {  	v0 =	vld [tilespmem:s0+$0x80];
	_ =	sdelay $0x4  }
0x1d9: {  	v0 =	vmul.f32 $8.000000000e+00, v0;
	_ =	sdelay $0x1  }
0x1da: {  	[tilespmem:s29+$0x80] =	vst v0  }
0x1db: {  	v0 =	vld [tilespmem:s0+$0x90];
	_ =	sdelay $0x4  }
0x1dc: {  	v0 =	vmul.f32 $8.000000000e+00, v0;
	_ =	sdelay $0x1  }
0x1dd: {  	[tilespmem:s29+$0x90] =	vst v0  }
0x1de: {  	v0 =	vld [tilespmem:s0+$0xA0];
	_ =	sdelay $0x4  }
0x1df: {  	v0 =	vmul.f32 $8.000000000e+00, v0;
	_ =	sdelay $0x1  }
0x1e0: {  	[tilespmem:s29+$0xA0] =	vst v0  }
0x1e1: {  	v0 =	vld [tilespmem:s0+$0xB0];
	_ =	sdelay $0x2  }
.Ltmp6:
0x1e2: {  	(pc) =	sbr.rel @p0 .LBB2_13-.Ltmp6, $3  }
0x1e3: {  	_ = 	snop  }
0x1e4: {  	v0 =	vmul.f32 $8.000000000e+00, v0;
	_ =	sdelay $0x1  }
0x1e5: {  	s0 =	sadd.s32 $0x200, s0;
	[tilespmem:s29+$0xB0] =	vst v0  }
0x1e6: {  	s26 =	sadd.s32 $0x1, s26  }
0x1e7: {  	p0 =	sne.s32 s26, $0x32  }
.Ltmp7:
0x1e8: {  	s0 =	sshll.u32 s28, $0xE;
	(pc) =	sbr.rel @p0 .LBB2_2-.Ltmp7, $4  }
0x1e9: {  	s0 =	sadd.s32 s6, s0  }
0x1ea: {  	s0 =	sshrl.u32 s0, $0x3  }
0x1eb: {  	s0 =	sadd.s32 s4, s0  }
0x1ec: {  	[hbm4b:s0+s2] =	stream.linear.scatter [tilespmem:s21], [sflag:$0x6], $0x4000, $0x38;
	[tilespmem:$0x1E400] =	vst v63  }
0x1ed: {  	s25 =	sadd.s32 $0x1, s25  }
0x1ee: {  	_ =	swait.ge [sflag:s23], $0x4000;
	p0 =	sne.s32 s25, s9  }
.Ltmp8:
0x1ef: {  	[sflag:s23] =	ssyncset.done $0x0;
	(pc) =	sbr.rel @p0 .LBB2_1-.Ltmp8, $4  }
0x1f0: {  	[sflag:s23] =	ssyncadd.s32 $0xFFFFC000  }
0x1f1: {  	_ =	swait.ge [sflag:s20], $0x4000  }
0x1f2: {  	[sflag:s20] =	ssyncset.done $0x0  }
0x1f3: {  	[sflag:s20] =	ssyncadd.s32 $0xFFFFC000  }
0x1f4: {  	_ =	sfence.sel $0x180000  }
0x1f5: {  	[bflag:$0x0] =	sbarrier.arrive $0xFFFF  }
0x1f6: {  	_ =	strace $0x90000047  }
0x1f7: {  	s0 =	stileid.u32;
	[bflag:$0x2] =	sbarrier.arrive $0xFFFF  }
0x1f8: {  	p0 =	sne.s32 s0, $0x0;
	s0 =	rddreg [dreg:$0x2]  }
0x1f9: {  	s0 =	sadd.s32 @!p0 $0x100000, s0  }
0x1fa: {  	[sflag:s0] =	ssyncadd.tile.s32 @!p0 $0x1;
	_ =	shalt  }
.Lfunc_end2:
_tile_overlayer_lowered:
.L_overlay_start_2:
0x1fb: {  	(tag) =	ssettag $0x2  }
0x1fc: {  	s0 =	rddreg [dreg:$0x0];
	s2 =	stileid.u32  }
0x1fd: {  	s1 =	rddreg [dreg:$0x1];
	p0 =	sne.s32 s2, $0x0  }
0x1fe: {  	s3 =	rddreg [dreg:$0x2];
	[bflag:$0x3] =	sbarrier.arrive $0xFFFF;
	s2 =	simm.s32 @!p0 $0x1C07  }
0x1ff: {  	[timem:s3], [sflag:s2] =	dma.local @!p0 [hbm:s0], s1  }
0x200: {  	s0 =	simm.s32 @!p0 $0x7  }
0x201: {  	_ =	swait.ge @!p0 [sflag:s0], s1  }
0x202: {  	s1 =	ssub.s32 @!p0 $0x0, s1;
	[sflag:s0] =	ssyncset.done @!p0 $0x0  }
0x203: {  	[sflag:s0] =	ssyncadd.s32 @!p0 s1  }
0x204: {  	[bflag:$0x3] =	sbarrier.arrive $0xFFFF  }
0x205: {  	_ =	shalt  }

// kernel: sparse-core-data-format-call.cloned.1.call-start
scs
called_computation_lowered:
.L_overlay_start_0:
0x0: {  	s2 =	sld [smem:$0x3FD9]  }
0x1: {  	s3 =	sld [smem:$0x3FFE];
	_ =	sdelay $0x1  }
0x2: {  	s1 =	srdreg.scid  }
0x3: {  	s0 =	sand.u32 $0x1, s1  }
0x4: {  	s18 =	sshll.u32 s0, $0xA;
	s2 =	sadd.s32 s3, s2  }
0x5: {  	s2 =	sadd.s32 s2, s18  }
0x6: {  	[smem:$0x3FC6] =	sst s2  }
0x7: {  	_ = 	snop  }
0x8: {  	s2 =	sld [smem:$0x3FD0];
	(tm) =	ssettm $0x1  }
0x9: {  	s19 =	sld [smem:$0x3FFB];
	_ =	sdelay $0x3  }
0xa: {  	_ =	strace s19  }
0xb: {  	s3 =	sld [smem:$0x3FFC];
	_ =	sdelay $0x3  }
0xc: {  	_ =	strace s3  }
0xd: {  	s3 =	sld [smem:$0x3FFD];
	_ =	sdelay $0x3  }
0xe: {  	_ =	strace s3  }
0xf: {  	_ =	strace $0x8FFFFFFF  }
0x10: {  	s20 =	sld [smem:$0x3FDB];
	_ =	sdelay $0x1  }
0x11: {  	s4 =	simm.s32 $_scs_section_size  }
0x12: {  	s5 =	simm.s32 $_size__tile_overlayer_lowered;
	s6 =	simm.s32 $_tile_overlayer_lowered  }
0x13: {  	s23 =	simm.s32 $0x1BFF;
	s22 =	sshll.u32 s6, $0x1;
	s3 =	sadd.s32 s4, s20  }
0x14: {  	s7 =	simm.s32 $0x0;
	s21 =	sshll.u32 s5, $0x1;
	s5 =	sadd.s32 s22, s3  }
0x15: {  	[timem:s7], [sflag:s23] =	dma.local [hbm:s5], s21  }
0x16: {  	_ =	swait.ge [sflag:s23], s21  }
0x17: {  	s4 =	ssub.s32 $0x0, s21;
	[sflag:s23] =	ssyncset.done $0x0  }
0x18: {  	[sflag:s23] =	ssyncadd.s32 s4;
	_ =	sdelay $0x1  }
0x19: {  	s24 =	simm.s32 $0x1B8B  }
0x1a: {  	_ =	swait.ge [sflag:s24], $0x1  }
0x1b: {  	[sflag:s24] =	ssyncset.done $0x0  }
0x1c: {  	s26 =	simm.s32 $0x1B8E;
	s25 =	sld [smem:$0x3FFE];
	[sflag:s24] =	ssyncadd.s32 $0xFFFFFFFF  }
0x1d: {  	s27 =	simm.s32 $execute0_lowered;
	[smem:$0x3FD2] =	sst s26  }
0x1e: {  	s5 =	sshll.u32 s27, $0x1;
	_ =	strace $0x80000049;
	[dreg:$0x1] =	wrdreg $0xFFFFFFFF  }
0x1f: {  	s28 =	simm.s32 $_size_execute0_lowered;
	s3 =	sadd.s32 s3, s5;
	[dreg:$0x0] =	wrdreg $0x0  }
0x20: {  	s5 =	sshll.u32 s28, $0x1;
	[dreg:$0x2] =	wrdreg s3  }
0x21: {  	[dreg:$0x3] =	wrdreg s5  }
0x22: {  	[dreg:$0x4] =	wrdreg $0xC0  }
0x23: {  	_ =	task [dreg:s7], $0x5FFFF  }
0x24: {  	[dreg:$0x1] =	wrdreg $0xFFFFFFFF  }
0x25: {  	[dreg:$0x0] =	wrdreg $0x60  }
0x26: {  	[dreg:$0x2] =	wrdreg s25  }
0x27: {  	[dreg:$0x3] =	wrdreg s2  }
0x28: {  	[dreg:$0x4] =	wrdreg $0x9  }
0x29: {  	_ =	task.clear_ibuf [dreg:s7], $0x5FFFF;
	_ =	strace $0x90000049  }
0x2a: {  	s29 =	simm.s32 $0x9;
	_ =	strace $0x8000004B  }
0x2b: {  	_ =	swait.ge [sflag:s29], $0x1  }
0x2c: {  	[sflag:s29] =	ssyncadd.s32 $0xFFFFFFFF  }
0x2d: {  	_ =	strace $0x9000004B  }
0x2e: {  	_ =	sfence  }
0x2f: {  	s30 =	sld [smem:$0x0];
	_ =	sdelay $0x2  }
0x30: {  	s31 =	sshll.u32 s1, $0xD;
	s1 =	sshrl.u32 s1, $0x2  }
0x31: {  	s3 =	sand.u32 $0x4000, s31;
	s1 =	sadd.s32 s1, s30  }
0x32: {  	s0 =	sor.u32 s3, s0;
	s1 =	sshll.u32 s1, $0x11  }
0x33: {  	s0 =	sor.u32 s1, s0  }
0x34: {  	s0 =	sadd.s32 $0x8F2B, s0  }
0x35: {  	[sflag:s0] =	ssyncadd.remote.s32 $0x1  }
0x36: {  	_ =	sfence.sel $0xFFFF  }
0x37: {  	[dreg:$0x0] =	wrdreg $0xFFFFFFFF;
	(pc) =	sbr.abs _section_cstart, $3  }
0x38: {  	[dreg:$0x1] =	wrdreg $0xFFFFFFFF  }
0x39: {  	_ =	task.clear_ibuf [dreg:s7], $0x2FFFF;
	_ =	strace $0x9FFFFFFF  }
0x3a: {  	(tm) =	ssettm $0x7FFFFFFF  }
0x3b: {  	_ =	shalt  }
tec
execute0_lowered:
.L_overlay_start_1:
0x0: {  	(tag) =	ssettag $0x1  }
0x1: {  	s0 =	srdreg.scid  }
0x2: {  	s1 =	sshll.u32 s0, $0x4  }
0x3: {  	s0 =	stileid.u32;
	s1 =	sand.u32 $0x10, s1  }
0x4: {  	s1 =	sor.u32 s0, s1  }
0x5: {  	s6 =	rddreg [dreg:$0x0];
	s4 =	simm.s32 $0x1;
	s2 =	sshll.u32 s1, $0x7  }
0x6: {  	s7 =	simm.s32 $0x2;
	s12 =	simm.s32 $0x0;
	s1 =	ssub.s32 $0x1000, s2  }
0x7: {  	s8 =	simm.s32 $0x8000;
	s13 =	simm.s32 $0x0;
	s3 =	sand.u32 $0xF80, s1  }
0x8: {  	s9 =	simm.s32 $0x0;
	s5 =	sshrl.u32 s1, $0xC;
	p0 =	sne.s32 s3, $0x0  }
.Ltmp0:
0x9: {  	s1 =	rddreg [dreg:$0x2];
	s4 =	simm.s32 @!p0 $0x0;
	(pc) =	sbr.rel .LBB1_1-.Ltmp0, $4  }
0xa: {  	s11 =	simm.s32 $0x0;
	s3 =	rddreg [dreg:$0x1];
	s5 =	sadd.s32 s4, s5  }
0xb: {  	_ =	strace $0x8000004A;
	s4 =	simm.s32 $0x1;
	s5 =	smul.u32 $0xC8, s5  }
0xc: {  	s6 =	sadd.s32 $0xA00, s6;
	s10 =	smov.u32 s2;
	[sflag:s4] =	ssyncpa.u1 $0x0  }
0xd: {  	p0 =	por $0x0, $0x0;
	[sflag:s7] =	ssyncpa.u1 $0x0;
	s7 =	sor.u32 $0x1, s5  }
.LBB1_4:
0xe: {  	s16 =	sshll.u32 s13, $0x3;
	s17 =	sand.u32 $0x78, s13  }
0xf: {  	s30 =	sand.u32 $0x7E00, s13;
	s12 =	sshll.u32 s12, $0xF;
	s16 =	sand.u32 $0xC00, s16  }
0x10: {  	[tilespmem:s15+$0x810 ss:$0x81] =	vst.msk $0xffff, v2;
	s31 =	sand.u32 $0x7, s13;
	s16 =	sor.u32 s17, s16;
	s17 =	sadd.s32 s3, s30  }
0x11: {  	[tilespmem:s15+$0x1020 ss:$0x81] =	vst.msk $0xffff, v0;
	s13 =	sshll.u32 s31, $0x12;
	s12 =	sadd.s32 s12, s17;
	s16 =	sshrl.u32 s16, $0x3  }
0x12: {  	[tilespmem:s15+$0x0 ss:$0x81] =	vst.msk $0xffff, v1;
	s13 =	sor.u32 $0x400, s13;
	s12 =	sadd.s32 s16, s12  }
0x13: {  	[hbm4b:s12+s13] =	stream.strided.scatter [tilespmem:s14], [sflag:$0x2], $0x2000, s8, s13, $0x20;
	[tilespmem:$0x8080] =	vst v63  }
.LBB1_5:
0x14: {  	s14 =	sadd.s32 $0x1, s9  }
0x15: {  	s12 =	sadd.s32 $0x1000, s10;
	s16 =	smov.u32 s10;
	p2 =	sgt.s32 s14, $0xC7  }
0x16: {  	s16 =	smov.u32 @p2 s12  }
0x17: {  	s14 =	simm.s32 @p2 $0x0;
	p2 =	sgt.s32 s16, $0xFFF  }
0x18: {  	s16 =	smov.u32 @p2 s2;
	p2 =	sne.s32 s11, s7  }
.Ltmp1:
0x19: {  	p1 =	slt.u32 s11, $0x2;
	(pc) =	sbr.rel @!p2 .LBB1_6-.Ltmp1, $4  }
0x1a: {  	s15 =	simm.s32 @!p1 $0x2  }
0x1b: {  	s13 =	smov.u32 s10;
	p0 =	por !p0, !p0;
	_ =	swait.ge @!p1 [sflag:s15], $0x2000  }
0x1c: {  	s12 =	smov.u32 s9;
	[sflag:s15] =	ssyncset.done @!p1 $0x0;
	s9 =	smov.u32 s14  }
0x1d: {  	s11 =	sadd.s32 $0x1, s11;
	[sflag:s15] =	ssyncadd.s32 @!p1 $0xFFFFE000;
	s10 =	smov.u32 s16  }
.LBB1_1:
0x1e: {  	p1 =	sge.u32 s11, s5  }
0x1f: {  	s14 =	sand.u32 @!p1 $0x1FFFFFF, s9  }
0x20: {  	s15 =	smulhi.u32 @!p1 $0x147AE15, s14;
	_ =	sdelay $0x1  }
0x21: {  	s15 =	smul.u32 @!p1 $0xC8, s15  }
0x22: {  	s16 =	sxor.u32 @!p1 $0xFFFFFFFF, s11;
	s17 =	smul.u32 @!p1 $0xC80, s10  }
0x23: {  	s31 =	sadd.s32 $0xFFFFFFFF, s11;
	s16 =	sshll.u32 @!p1 s16, $0xD;
	s14 =	ssub.s32 @!p1 s14, s15  }
0x24: {  	s15 =	sand.u32 @!p1 $0x2000, s16;
	s16 =	sadd.s32 @!p1 s6, s17;
	s14 =	sshll.u32 @!p1 s14, $0x4  }
0x25: {  	s17 =	simm.s32 @!p1 $0x6400;
	s14 =	sadd.s32 @!p1 s14, s16;
	s16 =	simm.s32 @!p1 $0x40  }
0x26: {  	[tilespmem:s15], [sflag:$0x1] =	stream.strided.gather @!p1 [hbm4b:s14+s16], $0x2000, s17, s16, $0x38;
	[tilespmem:$0x8080] =	vst v63  }
0x27: {  	p1 =	sge.u32 s31, s5  }
.Ltmp2:
0x28: {  	_ = 	snop;
	(pc) =	sbr.rel @p1 .LBB1_5-.Ltmp2, $1  }
0x29: {  	_ =	sdelay $0x3  }
0x2a: {  	s14 =	simm.s32 $0x1  }
0x2b: {  	_ =	swait.ge [sflag:s4], $0x2000;
	s14 =	simm.s32 @!p0 $0x0  }
0x2c: {  	[sflag:s4] =	ssyncset.done $0x0;
	s15 =	sshll.u32 s14, $0xD  }
0x2d: {  	[sflag:s4] =	ssyncadd.s32 $0xFFFFE000;
	s18 =	sor.u32 $0x20, s15  }
0x2e: {  	s14 =	smul.u32 $0x8100, s14;
	v3 =	vld [tilespmem:s18+$0x10]  }
0x2f: {  	s30 =	sand.u32 $0x1, s11;
	v2 =	vld [tilespmem:s18+$0xFFFFFFF0]  }
0x30: {  	s15 =	smul.u32 $0x8100, s30;
	s14 =	sshrl.u32 s14, $0x2;
	v0 =	vld [tilespmem:s18+$0x0]  }
0x31: {  	v1 =	vld [tilespmem:s18+$0xFFFFFFE0];
	s16 =	sor.u32 $0x4000, s14  }
0x32: {  	s31 =	sshrl.u32 s15, $0x2;
	s15 =	sadd.s32 $0x0, s16  }
0x33: {  	s17 =	simm.s32 $0x4;
	s18 =	sadd.s32 $0x40, s18;
	s14 =	sor.u32 $0x4000, s31;
	[tilespmem:s15+$0x1830 ss:$0x81] =	vst.msk $0xffff, v3  }
.LBB1_3:
0x34: {  	v3 =	vld [tilespmem:s18+$0x10];
	p1 =	sne.s32 s17, $0x1FC;
	[tilespmem:s15+$0x810 ss:$0x81] =	vst.msk $0xffff, v2;
	s19 =	smov.u32 s17;
	s17 =	sadd.s32 $0x4, s17  }
.Ltmp3:
0x35: {  	v2 =	vld [tilespmem:s18+$0xFFFFFFF0];
	[tilespmem:s15+$0x1020 ss:$0x81] =	vst.msk $0xffff, v0;
	(pc) =	sbr.rel @p1 .LBB1_3-.Ltmp3, $4  }
0x36: {  	v0 =	vld [tilespmem:s18+$0x0];
	[tilespmem:s15+$0x0 ss:$0x81] =	vst.msk $0xffff, v1  }
0x37: {  	s15 =	sshra.s32 s19, $0x2;
	v1 =	vld [tilespmem:s18+$0xFFFFFFE0]  }
0x38: {  	s15 =	sadd.s32 s15, s16  }
0x39: {  	s18 =	sadd.s32 $0x40, s18;
	[tilespmem:s15+$0x1830 ss:$0x81] =	vst.msk $0xffff, v3  }
.Ltmp4:
0x3a: {  	_ = 	snop;
	(pc) =	sbr.rel .LBB1_4-.Ltmp4, $1  }
0x3b: {  	_ =	sdelay $0x3  }
.LBB1_6:
0x3c: {  	_ =	sfence.sel $0x180000  }
0x3d: {  	s2 =	simm.s32 $0x1;
	[bflag:$0x0] =	sbarrier.arrive $0xFFFF  }
0x3e: {  	s31 =	simm.s32 $0x2;
	[sflag:s2] =	ssyncpa.u1 $0x1  }
0x3f: {  	[sflag:s31] =	ssyncpa.u1 $0x1  }
0x40: {  	p0 =	sne.s32 s0, $0x0;
	_ =	strace $0x9000004A  }
0x41: {  	s0 =	sadd.s32 @!p0 $0x100000, s1;
	[bflag:$0x2] =	sbarrier.arrive $0xFFFF  }
0x42: {  	[sflag:s0] =	ssyncadd.tile.s32 @!p0 $0x1;
	_ =	shalt  }
.Lfunc_end1:
_tile_overlayer_lowered:
.L_overlay_start_2:
0x43: {  	(tag) =	ssettag $0x2  }
0x44: {  	s0 =	rddreg [dreg:$0x0];
	s2 =	stileid.u32  }
0x45: {  	s1 =	rddreg [dreg:$0x1];
	p0 =	sne.s32 s2, $0x0  }
0x46: {  	s3 =	rddreg [dreg:$0x2];
	[bflag:$0x3] =	sbarrier.arrive $0xFFFF;
	s2 =	simm.s32 @!p0 $0x1C01  }
0x47: {  	[timem:s3], [sflag:s2] =	dma.local @!p0 [hbm:s0], s1  }
0x48: {  	s0 =	simm.s32 @!p0 $0x1  }
0x49: {  	_ =	swait.ge @!p0 [sflag:s0], s1  }
0x4a: {  	s1 =	ssub.s32 @!p0 $0x0, s1;
	[sflag:s0] =	ssyncset.done @!p0 $0x0  }
0x4b: {  	[sflag:s0] =	ssyncadd.s32 @!p0 s1  }
0x4c: {  	[bflag:$0x3] =	sbarrier.arrive $0xFFFF  }
0x4d: {  	_ =	shalt  }

</sc_bundles>
